<compile_context>
chip_gen: v7x
topology: tpu7x:2x2x1
jax: 0.10.2.dev20260603
libtpu: 0.0.44.dev20260713+nightly
codegen_flags: <defaults>
</compile_context>

<pallas_src>
import functools

import jax
import jax.numpy as jnp
from jax import lax
from jax.experimental import pallas as pl
from jax.experimental.pallas import tpu as pltpu
from jax.experimental.pallas import tpu_sc as plsc

N_NODES = 10000
N_EDGES = 160000
DIM = 256
HALF = 128
N_GRAPHS = 64
BN_EPS = 1e-5

NC = 2
NS = 16
EDGES_PER_TILE = 10000
CHUNK = 125
NCHUNK = EDGES_PER_TILE // CHUNK
ACC_ROWS = 10112
ROWS_PER_TILE = ACC_ROWS // NS

BLK = 5000
GRID = N_NODES // BLK


def _make_sc_agg():
    mesh = plsc.VectorSubcoreMesh(
        core_axis_name="c", subcore_axis_name="s", num_cores=NC, num_subcores=NS
    )

    @functools.partial(
        pl.kernel,
        out_type=[
            jax.ShapeDtypeStruct((ACC_ROWS, HALF), jnp.float32),
            jax.ShapeDtypeStruct((ACC_ROWS, HALF), jnp.float32),
        ],
        mesh=mesh,
        scratch_types=[
            pltpu.VMEM((NCHUNK, CHUNK), jnp.int32),
            pltpu.VMEM((NCHUNK, CHUNK), jnp.int32),
            pltpu.VMEM((CHUNK, HALF), jnp.float32),
            pltpu.VMEM_SHARED((ACC_ROWS, HALF), jnp.float32),
            pltpu.SemaphoreType.DMA,
        ],
    )
    def sc_agg(hlo_hbm, hhi_hbm, src_hbm, dst_hbm, zero_hbm, alo_hbm, ahi_hbm,
               src_v, dst_v, rows_v, acc_sh, sem):
        c = lax.axis_index("c")
        sid = lax.axis_index("s")
        pltpu.sync_copy(zero_hbm,
                        acc_sh.at[pl.ds(sid * ROWS_PER_TILE, ROWS_PER_TILE)])
        pltpu.sync_copy(src_hbm.at[sid], src_v)
        pltpu.sync_copy(dst_hbm.at[sid], dst_v)
        plsc.subcore_barrier()

        def run(h_hbm, out_hbm):
            @pl.loop(0, NCHUNK)
            def _(j):
                pltpu.async_copy(h_hbm.at[src_v.at[j]], rows_v, sem).wait()
                pltpu.sync_copy(rows_v, acc_sh.at[dst_v.at[j]], add=True)

            plsc.subcore_barrier()
            sl = pl.ds(sid * ROWS_PER_TILE, ROWS_PER_TILE)
            pltpu.sync_copy(acc_sh.at[sl], out_hbm.at[sl])

        @pl.when(c == 0)
        def _():
            run(hlo_hbm, alo_hbm)

        @pl.when(c == 1)
        def _():
            run(hhi_hbm, ahi_hbm)

    return sc_agg


_SC_AGG_CACHE = []


def _sc_agg(*args):
    if not _SC_AGG_CACHE:
        _SC_AGG_CACHE.append(_make_sc_agg())
    return _SC_AGG_CACHE[0](*args)


def _mlp_stats_body(hlo, hhi, alo, ahi, w1, b1, w2, b2, m_out, ssum, ssq):
    i = pl.program_id(0)
    h = jnp.concatenate([hlo[...] + alo[...], hhi[...] + ahi[...]], axis=1)
    z = jnp.maximum(
        jnp.dot(h, w1[...], preferred_element_type=jnp.float32) + b1[...], 0.0
    )
    m = jnp.dot(z, w2[...], preferred_element_type=jnp.float32) + b2[...]
    m = jnp.maximum(m, 0.0)
    m_out[...] = m
    cs = jnp.sum(m, axis=0, keepdims=True)
    cq = jnp.sum(m * m, axis=0, keepdims=True)

    @pl.when(i == 0)
    def _():
        ssum[...] = cs
        ssq[...] = cq

    @pl.when(i > 0)
    def _():
        ssum[...] += cs
        ssq[...] += cq


def _mlp_stats(hlo, hhi, alo, ahi, w1, b1, w2, b2):
    half_in = pl.BlockSpec((BLK, HALF), lambda i: (i, 0))
    full_w = pl.BlockSpec((DIM, DIM), lambda i: (0, 0))
    row = pl.BlockSpec((1, DIM), lambda i: (0, 0))
    return pl.pallas_call(
        _mlp_stats_body,
        grid=(GRID,),
        in_specs=[half_in, half_in, half_in, half_in, full_w, row, full_w, row],
        out_specs=[
            pl.BlockSpec((BLK, DIM), lambda i: (i, 0)),
            row,
            row,
        ],
        out_shape=[
            jax.ShapeDtypeStruct((N_NODES, DIM), jnp.float32),
            jax.ShapeDtypeStruct((1, DIM), jnp.float32),
            jax.ShapeDtypeStruct((1, DIM), jnp.float32),
        ],
    )(hlo, hhi, alo, ahi, w1, b1, w2, b2)


def _norm_pool_body(m_ref, ssum, ssq, g_ref, be_ref, batch_ref, *rest):
    hlo_out, hhi_out, pool_out, xn_out = rest[-4:]
    i = pl.program_id(0)
    inv_n = 1.0 / N_NODES
    mean = ssum[...] * inv_n
    var = ssq[...] * inv_n - mean * mean
    scale = g_ref[...] * lax.rsqrt(var + BN_EPS)
    shift = be_ref[...] - mean * scale
    hq = m_ref[...] * scale + shift
    hlo_out[...] = hq[:, :HALF]
    hhi_out[...] = hq[:, HALF:]
    xn_out[...] = hq
    bb = batch_ref[0, 0, :]
    onehot = (bb[None, :] == lax.broadcasted_iota(jnp.int32, (N_GRAPHS, BLK), 0))
    contrib = jnp.dot(onehot.astype(jnp.float32), hq,
                      preferred_element_type=jnp.float32)

    @pl.when(i == 0)
    def _():
        pool_out[...] = contrib

    @pl.when(i > 0)
    def _():
        pool_out[...] += contrib


def _norm_pool(m, ssum, ssq, g, be, batch3d, layer, xn_prev):
    row = pl.BlockSpec((1, DIM), lambda i: (0, 0))
    in_specs = [
        pl.BlockSpec((BLK, DIM), lambda i: (i, 0)),
        row, row, row, row,
        pl.BlockSpec((1, 1, BLK), lambda i: (i, 0, 0)),
    ]
    out_specs = [
        pl.BlockSpec((BLK, HALF), lambda i: (i, 0)),
        pl.BlockSpec((BLK, HALF), lambda i: (i, 0)),
        pl.BlockSpec((N_GRAPHS, DIM), lambda i: (0, 0)),
        pl.BlockSpec((BLK, DIM), lambda i, layer=layer: (i, layer)),
    ]
    out_shape = [
        jax.ShapeDtypeStruct((N_NODES, HALF), jnp.float32),
        jax.ShapeDtypeStruct((N_NODES, HALF), jnp.float32),
        jax.ShapeDtypeStruct((N_GRAPHS, DIM), jnp.float32),
        jax.ShapeDtypeStruct((N_NODES, 3 * DIM), jnp.float32),
    ]
    args = [m, ssum, ssq, g, be, batch3d]
    aliases = {}
    if xn_prev is not None:
        in_specs.append(pl.BlockSpec(memory_space=pl.ANY))
        args.append(xn_prev)
        aliases = {6: 3}
    return pl.pallas_call(
        _norm_pool_body,
        grid=(GRID,),
        in_specs=in_specs,
        out_specs=out_specs,
        out_shape=out_shape,
        input_output_aliases=aliases,
    )(*args)


def kernel(x, edge_index, batch,
           W1_0, b1_0, W2_0, b2_0, g_0, be_0,
           W1_1, b1_1, W2_1, b2_1, g_1, be_1,
           W1_2, b1_2, W2_2, b2_2, g_2, be_2):
    params = [(W1_0, b1_0, W2_0, b2_0, g_0, be_0),
              (W1_1, b1_1, W2_1, b2_1, g_1, be_1),
              (W1_2, b1_2, W2_2, b2_2, g_2, be_2)]
    src_r = edge_index[0].reshape(NS, NCHUNK, CHUNK)
    dst_r = edge_index[1].reshape(NS, NCHUNK, CHUNK)
    zeros = jnp.zeros((ROWS_PER_TILE, HALF), jnp.float32)
    batch3d = batch.reshape(GRID, 1, BLK)

    h_lo = x[:, :HALF]
    h_hi = x[:, HALF:]
    pools = []
    xn = None
    for layer, (w1, b1, w2, b2, g, be) in enumerate(params):
        agg_lo, agg_hi = _sc_agg(h_lo, h_hi, src_r, dst_r, zeros)
        m, ssum, ssq = _mlp_stats(h_lo, h_hi, agg_lo, agg_hi,
                                  w1, b1.reshape(1, DIM), w2, b2.reshape(1, DIM))
        h_lo, h_hi, pool, xn = _norm_pool(m, ssum, ssq, g.reshape(1, DIM),
                                          be.reshape(1, DIM), batch3d, layer, xn)
        pools.append(pool)

    x_g = jnp.concatenate(pools, axis=1)
    return (x_g, xn)

# --- scband reference (transcript-rebuilt; emitter-appended) ---
"""Pipeline reference for scband-gin-71047349011183 (READ-ONLY COPY).

The authoritative reference and input builder live on the scoring server;
editing this copy changes nothing except your own understanding.
"""

import jax, jax.numpy as jnp
import numpy as np

N_NODES = 10000
N_EDGES = 160000
D_FEAT = 256
DIM = 256
N_LAYERS = 3
N_GRAPHS = 64
BN_EPS = 1e-5


def setup_inputs(seed: int = 0):
    key = jax.random.key(seed)
    ks = jax.random.split(key, 4 + 6 * N_LAYERS)
    inp = {}
    inp['x'] = jax.random.normal(ks[0], (N_NODES, D_FEAT), dtype=jnp.float32)
    inp['edge_index'] = jax.random.randint(ks[1], (2, N_EDGES), 0, N_NODES, dtype=jnp.int32)
    inp['batch'] = jnp.sort(jax.random.randint(ks[2], (N_NODES,), 0, N_GRAPHS, dtype=jnp.int32))
    k = 4
    for i in range(N_LAYERS):
        fin = D_FEAT if i == 0 else DIM
        inp[f'W1_{i}'] = jax.random.normal(ks[k + 0], (fin, DIM), dtype=jnp.float32) * 0.05
        inp[f'b1_{i}'] = jnp.zeros((DIM,), dtype=jnp.float32)
        inp[f'W2_{i}'] = jax.random.normal(ks[k + 1], (DIM, DIM), dtype=jnp.float32) * 0.05
        inp[f'b2_{i}'] = jnp.zeros((DIM,), dtype=jnp.float32)
        inp[f'g_{i}'] = jnp.ones((DIM,), dtype=jnp.float32)
        inp[f'be_{i}'] = jnp.zeros((DIM,), dtype=jnp.float32)
        k += 2
    return inp


def reference(x, edge_index, batch,
              W1_0, b1_0, W2_0, b2_0, g_0, be_0,
              W1_1, b1_1, W2_1, b2_1, g_1, be_1,
              W1_2, b1_2, W2_2, b2_2, g_2, be_2):
    params = [(W1_0, b1_0, W2_0, b2_0, g_0, be_0),
              (W1_1, b1_1, W2_1, b2_1, g_1, be_1),
              (W1_2, b1_2, W2_2, b2_2, g_2, be_2)]
    src = edge_index[0]
    dst = edge_index[1]
    h = x
    xs = []
    for (W1, b1, W2, b2, g, be) in params:
        # GINConv (eps=0): mlp(x + sum_{j in N(i)} x_j)
        agg = jax.ops.segment_sum(h[src], dst, num_segments=N_NODES)
        m = h + agg
        m = jnp.maximum(m @ W1 + b1, 0.0) @ W2 + b2
        # outer ReLU
        m = jnp.maximum(m, 0.0)
        # BatchNorm1d (training-mode batch statistics, biased variance)
        mean = m.mean(axis=0)
        var = m.var(axis=0)
        h = g * (m - mean) / jnp.sqrt(var + BN_EPS) + be
        xs.append(h)
    xpool = [jax.ops.segment_sum(z, batch, num_segments=N_GRAPHS) for z in xs]
    x_g = jnp.concatenate(xpool, axis=1)
    x_nodes = jnp.concatenate(xs, axis=1)
    return (x_g, x_nodes)

if __name__ == "__main__":
    import jax
    _d = setup_inputs()
    print(jax.jit(kernel)(*tuple(_d.values())))

</pallas_src>

<mosaic_0001>
#map = affine_map<(d0, d1) -> (0, 0)>
#map1 = affine_map<(d0, d1) -> (0, 0, 0)>
module attributes {stable_mosaic.version = 14 : i64} {
  func.func @sc_agg(%arg0: i32, %arg1: i32, %arg2: memref<10000x128xf32, #tpu.memory_space<hbm>>, %arg3: memref<10000x128xf32, #tpu.memory_space<hbm>>, %arg4: memref<16x80x125xi32, #tpu.memory_space<hbm>>, %arg5: memref<16x80x125xi32, #tpu.memory_space<hbm>>, %arg6: memref<632x128xf32, #tpu.memory_space<hbm>>, %arg7: memref<10112x128xf32, #tpu.memory_space<hbm>>, %arg8: memref<10112x128xf32, #tpu.memory_space<hbm>>, %arg9: memref<80x125xi32, #tpu.memory_space<vmem>>, %arg10: memref<80x125xi32, #tpu.memory_space<vmem>>, %arg11: memref<125x128xf32, #tpu.memory_space<vmem>>, %arg12: memref<10112x128xf32, #tpu.memory_space<vmem_shared>>, %arg13: memref<!tpu.dma_semaphore, #tpu.memory_space<semaphore_mem>>) attributes {dimension_semantics = [#tpu.dimension_semantics<core_parallel>, #tpu.dimension_semantics<subcore_parallel>], iteration_bounds = array<i64: 2, 16>, scalar_prefetch = 0 : i64, scratch_operands = 5 : i64, tpu.core_type = #tpu.core_type<sc_vector_subcore>, window_params = [{transform_indices = #map}, {transform_indices = #map}, {transform_indices = #map1}, {transform_indices = #map1}, {transform_indices = #map}, {transform_indices = #map}, {transform_indices = #map}]} {
    %mul3A = arith.constant 632 : i32
    %mul3A_0 = arith.muli %arg1, %mul3A : i32
    "tpu.region"() ({
      %run_scoped3A = tpu.sem_alloc : memref<!tpu.dma_semaphore, #tpu.memory_space<semaphore_mem>>
      %dma_start3A = arith.constant 0 : i32
      %dma_start3A_8 = tpu.memref_slice %arg12[%mul3A_0, %dma_start3A] : memref<10112x128xf32, #tpu.memory_space<vmem_shared>> -> memref<632x128xf32, #tpu.memory_space<vmem_shared>>
      tpu.enqueue_dma source(%arg6 : memref<632x128xf32, #tpu.memory_space<hbm>>) target(%dma_start3A_8 : memref<632x128xf32, #tpu.memory_space<vmem_shared>>) target_semaphore(%run_scoped3A : memref<!tpu.dma_semaphore, #tpu.memory_space<semaphore_mem>>)
      %dma_wait3A = arith.constant 0 : i32
      %dma_wait3A_9 = tpu.memref_slice %arg12[%mul3A_0, %dma_wait3A] : memref<10112x128xf32, #tpu.memory_space<vmem_shared>> -> memref<632x128xf32, #tpu.memory_space<vmem_shared>>
      tpu.wait_dma2 semaphore(%run_scoped3A : memref<!tpu.dma_semaphore, #tpu.memory_space<semaphore_mem>>) src(%arg6 : memref<632x128xf32, #tpu.memory_space<hbm>>) dst(%dma_wait3A_9 : memref<632x128xf32, #tpu.memory_space<vmem_shared>>)
      tpu.yield
    }) : () -> ()
    "tpu.region"() ({
      %run_scoped3A = tpu.sem_alloc : memref<!tpu.dma_semaphore, #tpu.memory_space<semaphore_mem>>
      %dma_start3A = arith.constant 0 : i32
      %dma_start3A_8 = arith.constant 0 : i32
      %dma_start3A_9 = tpu.memref_slice %arg4[%arg1, %dma_start3A, %dma_start3A_8] : memref<16x80x125xi32, #tpu.memory_space<hbm>> -> memref<1x80x125xi32, #tpu.memory_space<hbm>>
      %dma_start3A_10 = tpu.memref_squeeze %dma_start3A_9 : memref<1x80x125xi32, #tpu.memory_space<hbm>> -> memref<80x125xi32, #tpu.memory_space<hbm>>
      %dma_start3A_11 = arith.constant 0 : i32
      %dma_start3A_12 = arith.constant 0 : i32
      %dma_start3A_13 = tpu.memref_slice %arg4[%arg1, %dma_start3A_11, %dma_start3A_12] : memref<16x80x125xi32, #tpu.memory_space<hbm>> -> memref<1x80x125xi32, #tpu.memory_space<hbm>>
      %dma_start3A_14 = tpu.memref_squeeze %dma_start3A_13 : memref<1x80x125xi32, #tpu.memory_space<hbm>> -> memref<80x125xi32, #tpu.memory_space<hbm>>
      tpu.enqueue_dma source(%dma_start3A_14 : memref<80x125xi32, #tpu.memory_space<hbm>>) target(%arg9 : memref<80x125xi32, #tpu.memory_space<vmem>>) target_semaphore(%run_scoped3A : memref<!tpu.dma_semaphore, #tpu.memory_space<semaphore_mem>>)
      %dma_wait3A = arith.constant 0 : i32
      %dma_wait3A_15 = arith.constant 0 : i32
      %dma_wait3A_16 = tpu.memref_slice %arg4[%arg1, %dma_wait3A, %dma_wait3A_15] : memref<16x80x125xi32, #tpu.memory_space<hbm>> -> memref<1x80x125xi32, #tpu.memory_space<hbm>>
      %dma_wait3A_17 = tpu.memref_squeeze %dma_wait3A_16 : memref<1x80x125xi32, #tpu.memory_space<hbm>> -> memref<80x125xi32, #tpu.memory_space<hbm>>
      %dma_wait3A_18 = arith.constant 0 : i32
      %dma_wait3A_19 = arith.constant 0 : i32
      %dma_wait3A_20 = tpu.memref_slice %arg4[%arg1, %dma_wait3A_18, %dma_wait3A_19] : memref<16x80x125xi32, #tpu.memory_space<hbm>> -> memref<1x80x125xi32, #tpu.memory_space<hbm>>
      %dma_wait3A_21 = tpu.memref_squeeze %dma_wait3A_20 : memref<1x80x125xi32, #tpu.memory_space<hbm>> -> memref<80x125xi32, #tpu.memory_space<hbm>>
      tpu.wait_dma2 semaphore(%run_scoped3A : memref<!tpu.dma_semaphore, #tpu.memory_space<semaphore_mem>>) src(%dma_wait3A_21 : memref<80x125xi32, #tpu.memory_space<hbm>>) dst(%arg9 : memref<80x125xi32, #tpu.memory_space<vmem>>)
      tpu.yield
    }) : () -> ()
    "tpu.region"() ({
      %run_scoped3A = tpu.sem_alloc : memref<!tpu.dma_semaphore, #tpu.memory_space<semaphore_mem>>
      %dma_start3A = arith.constant 0 : i32
      %dma_start3A_8 = arith.constant 0 : i32
      %dma_start3A_9 = tpu.memref_slice %arg5[%arg1, %dma_start3A, %dma_start3A_8] : memref<16x80x125xi32, #tpu.memory_space<hbm>> -> memref<1x80x125xi32, #tpu.memory_space<hbm>>
      %dma_start3A_10 = tpu.memref_squeeze %dma_start3A_9 : memref<1x80x125xi32, #tpu.memory_space<hbm>> -> memref<80x125xi32, #tpu.memory_space<hbm>>
      %dma_start3A_11 = arith.constant 0 : i32
      %dma_start3A_12 = arith.constant 0 : i32
      %dma_start3A_13 = tpu.memref_slice %arg5[%arg1, %dma_start3A_11, %dma_start3A_12] : memref<16x80x125xi32, #tpu.memory_space<hbm>> -> memref<1x80x125xi32, #tpu.memory_space<hbm>>
      %dma_start3A_14 = tpu.memref_squeeze %dma_start3A_13 : memref<1x80x125xi32, #tpu.memory_space<hbm>> -> memref<80x125xi32, #tpu.memory_space<hbm>>
      tpu.enqueue_dma source(%dma_start3A_14 : memref<80x125xi32, #tpu.memory_space<hbm>>) target(%arg10 : memref<80x125xi32, #tpu.memory_space<vmem>>) target_semaphore(%run_scoped3A : memref<!tpu.dma_semaphore, #tpu.memory_space<semaphore_mem>>)
      %dma_wait3A = arith.constant 0 : i32
      %dma_wait3A_15 = arith.constant 0 : i32
      %dma_wait3A_16 = tpu.memref_slice %arg5[%arg1, %dma_wait3A, %dma_wait3A_15] : memref<16x80x125xi32, #tpu.memory_space<hbm>> -> memref<1x80x125xi32, #tpu.memory_space<hbm>>
      %dma_wait3A_17 = tpu.memref_squeeze %dma_wait3A_16 : memref<1x80x125xi32, #tpu.memory_space<hbm>> -> memref<80x125xi32, #tpu.memory_space<hbm>>
      %dma_wait3A_18 = arith.constant 0 : i32
      %dma_wait3A_19 = arith.constant 0 : i32
      %dma_wait3A_20 = tpu.memref_slice %arg5[%arg1, %dma_wait3A_18, %dma_wait3A_19] : memref<16x80x125xi32, #tpu.memory_space<hbm>> -> memref<1x80x125xi32, #tpu.memory_space<hbm>>
      %dma_wait3A_21 = tpu.memref_squeeze %dma_wait3A_20 : memref<1x80x125xi32, #tpu.memory_space<hbm>> -> memref<80x125xi32, #tpu.memory_space<hbm>>
      tpu.wait_dma2 semaphore(%run_scoped3A : memref<!tpu.dma_semaphore, #tpu.memory_space<semaphore_mem>>) src(%dma_wait3A_21 : memref<80x125xi32, #tpu.memory_space<hbm>>) dst(%arg10 : memref<80x125xi32, #tpu.memory_space<vmem>>)
      tpu.yield
    }) : () -> ()
    %barrier3A = arith.constant 0 : index
    tpu.barrier barrier_id(%barrier3A)
    %eq3A = arith.constant 0 : i32
    %eq3A_1 = arith.cmpi eq, %arg0, %eq3A : i32
    %convert_element_type3A = arith.extui %eq3A_1 : i1 to i32
    %cond3A = arith.constant 0 : i32
    %cond3A_2 = arith.cmpi ne, %convert_element_type3A, %cond3A : i32
    scf.if %cond3A_2 {
      %scan3A = arith.constant 0 : i32
      %scan3A_8 = arith.constant 80 : i32
      %scan3A_9 = arith.addi %scan3A, %scan3A_8 : i32
      %scan3A_10 = arith.constant 1 : i32
      scf.for %scan3A_15 = %scan3A to %scan3A_9 step %scan3A_10  : i32 {
        %mul3A_16 = arith.constant 1 : i32
        %mul3A_17 = arith.muli %scan3A_15, %mul3A_16 : i32
        %add3A = arith.constant 0 : i32
        %add3A_18 = arith.addi %add3A, %mul3A_17 : i32
        %dma_start3A = arith.constant 0 : i32
        %dma_start3A_19 = tpu.memref_slice %arg9[%add3A_18, %dma_start3A] : memref<80x125xi32, #tpu.memory_space<vmem>> -> memref<1x125xi32, #tpu.memory_space<vmem>>
        %dma_start3A_20 = tpu.memref_squeeze %dma_start3A_19 : memref<1x125xi32, #tpu.memory_space<vmem>> -> memref<125xi32, #tpu.memory_space<vmem>>
        %dma_start3A_21 = arith.constant 0 : i32
        %dma_start3A_22 = arith.constant 0 : i32
        %dma_start3A_23 = tpu.memref_slice %arg2[%dma_start3A_21, %dma_start3A_22] : memref<10000x128xf32, #tpu.memory_space<hbm>> -> memref<10000x128xf32, #tpu.memory_space<hbm>>
        tpu.enqueue_indirect_dma source(%dma_start3A_23 : memref<10000x128xf32, #tpu.memory_space<hbm>>) target(%arg11 : memref<125x128xf32, #tpu.memory_space<vmem>>) offsets(%dma_start3A_20 : memref<125xi32, #tpu.memory_space<vmem>>) semaphore(%arg13 : memref<!tpu.dma_semaphore, #tpu.memory_space<semaphore_mem>>)
        %dma_wait3A = arith.constant 0 : i32
        %dma_wait3A_24 = tpu.memref_slice %arg9[%add3A_18, %dma_wait3A] : memref<80x125xi32, #tpu.memory_space<vmem>> -> memref<1x125xi32, #tpu.memory_space<vmem>>
        %dma_wait3A_25 = tpu.memref_squeeze %dma_wait3A_24 : memref<1x125xi32, #tpu.memory_space<vmem>> -> memref<125xi32, #tpu.memory_space<vmem>>
        %dma_wait3A_26 = arith.constant 0 : i32
        %dma_wait3A_27 = arith.constant 0 : i32
        %dma_wait3A_28 = tpu.memref_slice %arg2[%dma_wait3A_26, %dma_wait3A_27] : memref<10000x128xf32, #tpu.memory_space<hbm>> -> memref<10000x128xf32, #tpu.memory_space<hbm>>
        tpu.wait_indirect_dma semaphore(%arg13 : memref<!tpu.dma_semaphore, #tpu.memory_space<semaphore_mem>>) src(%dma_wait3A_28 : memref<10000x128xf32, #tpu.memory_space<hbm>>) dst(%arg11 : memref<125x128xf32, #tpu.memory_space<vmem>>)
        "tpu.region"() ({
          %run_scoped3A = tpu.sem_alloc : memref<!tpu.dma_semaphore, #tpu.memory_space<semaphore_mem>>
          %dma_start3A_29 = arith.constant 0 : i32
          %dma_start3A_30 = tpu.memref_slice %arg10[%add3A_18, %dma_start3A_29] : memref<80x125xi32, #tpu.memory_space<vmem>> -> memref<1x125xi32, #tpu.memory_space<vmem>>
          %dma_start3A_31 = tpu.memref_squeeze %dma_start3A_30 : memref<1x125xi32, #tpu.memory_space<vmem>> -> memref<125xi32, #tpu.memory_space<vmem>>
          %dma_start3A_32 = arith.constant 0 : i32
          %dma_start3A_33 = arith.constant 0 : i32
          %dma_start3A_34 = tpu.memref_slice %arg12[%dma_start3A_32, %dma_start3A_33] : memref<10112x128xf32, #tpu.memory_space<vmem_shared>> -> memref<10112x128xf32, #tpu.memory_space<vmem_shared>>
          tpu.enqueue_indirect_dma source(%arg11 : memref<125x128xf32, #tpu.memory_space<vmem>>) target(%dma_start3A_34 : memref<10112x128xf32, #tpu.memory_space<vmem_shared>>) offsets(%dma_start3A_31 : memref<125xi32, #tpu.memory_space<vmem>>) semaphore(%run_scoped3A : memref<!tpu.dma_semaphore, #tpu.memory_space<semaphore_mem>>) {add = true}
          %dma_wait3A_35 = arith.constant 0 : i32
          %dma_wait3A_36 = tpu.memref_slice %arg10[%add3A_18, %dma_wait3A_35] : memref<80x125xi32, #tpu.memory_space<vmem>> -> memref<1x125xi32, #tpu.memory_space<vmem>>
          %dma_wait3A_37 = tpu.memref_squeeze %dma_wait3A_36 : memref<1x125xi32, #tpu.memory_space<vmem>> -> memref<125xi32, #tpu.memory_space<vmem>>
          %dma_wait3A_38 = arith.constant 0 : i32
          %dma_wait3A_39 = arith.constant 0 : i32
          %dma_wait3A_40 = tpu.memref_slice %arg12[%dma_wait3A_38, %dma_wait3A_39] : memref<10112x128xf32, #tpu.memory_space<vmem_shared>> -> memref<10112x128xf32, #tpu.memory_space<vmem_shared>>
          tpu.wait_indirect_dma semaphore(%run_scoped3A : memref<!tpu.dma_semaphore, #tpu.memory_space<semaphore_mem>>) src(%arg11 : memref<125x128xf32, #tpu.memory_space<vmem>>) dst(%dma_wait3A_40 : memref<10112x128xf32, #tpu.memory_space<vmem_shared>>)
          tpu.yield
        }) : () -> ()
      }
      %scan3A_11 = arith.constant 80 : i32
      %barrier3A_12 = arith.constant 0 : index
      tpu.barrier barrier_id(%barrier3A_12)
      %mul3A_13 = arith.constant 632 : i32
      %mul3A_14 = arith.muli %arg1, %mul3A_13 : i32
      "tpu.region"() ({
        %run_scoped3A = tpu.sem_alloc : memref<!tpu.dma_semaphore, #tpu.memory_space<semaphore_mem>>
        %dma_start3A = arith.constant 0 : i32
        %dma_start3A_15 = tpu.memref_slice %arg7[%mul3A_14, %dma_start3A] : memref<10112x128xf32, #tpu.memory_space<hbm>> -> memref<632x128xf32, #tpu.memory_space<hbm>>
        %dma_start3A_16 = arith.constant 0 : i32
        %dma_start3A_17 = tpu.memref_slice %arg12[%mul3A_14, %dma_start3A_16] : memref<10112x128xf32, #tpu.memory_space<vmem_shared>> -> memref<632x128xf32, #tpu.memory_space<vmem_shared>>
        tpu.enqueue_dma source(%dma_start3A_17 : memref<632x128xf32, #tpu.memory_space<vmem_shared>>) target(%dma_start3A_15 : memref<632x128xf32, #tpu.memory_space<hbm>>) target_semaphore(%run_scoped3A : memref<!tpu.dma_semaphore, #tpu.memory_space<semaphore_mem>>)
        %dma_wait3A = arith.constant 0 : i32
        %dma_wait3A_18 = tpu.memref_slice %arg7[%mul3A_14, %dma_wait3A] : memref<10112x128xf32, #tpu.memory_space<hbm>> -> memref<632x128xf32, #tpu.memory_space<hbm>>
        %dma_wait3A_19 = arith.constant 0 : i32
        %dma_wait3A_20 = tpu.memref_slice %arg12[%mul3A_14, %dma_wait3A_19] : memref<10112x128xf32, #tpu.memory_space<vmem_shared>> -> memref<632x128xf32, #tpu.memory_space<vmem_shared>>
        tpu.wait_dma2 semaphore(%run_scoped3A : memref<!tpu.dma_semaphore, #tpu.memory_space<semaphore_mem>>) src(%dma_wait3A_20 : memref<632x128xf32, #tpu.memory_space<vmem_shared>>) dst(%dma_wait3A_18 : memref<632x128xf32, #tpu.memory_space<hbm>>)
        tpu.yield
      }) : () -> ()
    } else {
    }
    %eq3A_3 = arith.constant 1 : i32
    %eq3A_4 = arith.cmpi eq, %arg0, %eq3A_3 : i32
    %convert_element_type3A_5 = arith.extui %eq3A_4 : i1 to i32
    %cond3A_6 = arith.constant 0 : i32
    %cond3A_7 = arith.cmpi ne, %convert_element_type3A_5, %cond3A_6 : i32
    scf.if %cond3A_7 {
      %scan3A = arith.constant 0 : i32
      %scan3A_8 = arith.constant 80 : i32
      %scan3A_9 = arith.addi %scan3A, %scan3A_8 : i32
      %scan3A_10 = arith.constant 1 : i32
      scf.for %scan3A_15 = %scan3A to %scan3A_9 step %scan3A_10  : i32 {
        %mul3A_16 = arith.constant 1 : i32
        %mul3A_17 = arith.muli %scan3A_15, %mul3A_16 : i32
        %add3A = arith.constant 0 : i32
        %add3A_18 = arith.addi %add3A, %mul3A_17 : i32
        %dma_start3A = arith.constant 0 : i32
        %dma_start3A_19 = tpu.memref_slice %arg9[%add3A_18, %dma_start3A] : memref<80x125xi32, #tpu.memory_space<vmem>> -> memref<1x125xi32, #tpu.memory_space<vmem>>
        %dma_start3A_20 = tpu.memref_squeeze %dma_start3A_19 : memref<1x125xi32, #tpu.memory_space<vmem>> -> memref<125xi32, #tpu.memory_space<vmem>>
        %dma_start3A_21 = arith.constant 0 : i32
        %dma_start3A_22 = arith.constant 0 : i32
        %dma_start3A_23 = tpu.memref_slice %arg3[%dma_start3A_21, %dma_start3A_22] : memref<10000x128xf32, #tpu.memory_space<hbm>> -> memref<10000x128xf32, #tpu.memory_space<hbm>>
        tpu.enqueue_indirect_dma source(%dma_start3A_23 : memref<10000x128xf32, #tpu.memory_space<hbm>>) target(%arg11 : memref<125x128xf32, #tpu.memory_space<vmem>>) offsets(%dma_start3A_20 : memref<125xi32, #tpu.memory_space<vmem>>) semaphore(%arg13 : memref<!tpu.dma_semaphore, #tpu.memory_space<semaphore_mem>>)
        %dma_wait3A = arith.constant 0 : i32
        %dma_wait3A_24 = tpu.memref_slice %arg9[%add3A_18, %dma_wait3A] : memref<80x125xi32, #tpu.memory_space<vmem>> -> memref<1x125xi32, #tpu.memory_space<vmem>>
        %dma_wait3A_25 = tpu.memref_squeeze %dma_wait3A_24 : memref<1x125xi32, #tpu.memory_space<vmem>> -> memref<125xi32, #tpu.memory_space<vmem>>
        %dma_wait3A_26 = arith.constant 0 : i32
        %dma_wait3A_27 = arith.constant 0 : i32
        %dma_wait3A_28 = tpu.memref_slice %arg3[%dma_wait3A_26, %dma_wait3A_27] : memref<10000x128xf32, #tpu.memory_space<hbm>> -> memref<10000x128xf32, #tpu.memory_space<hbm>>
        tpu.wait_indirect_dma semaphore(%arg13 : memref<!tpu.dma_semaphore, #tpu.memory_space<semaphore_mem>>) src(%dma_wait3A_28 : memref<10000x128xf32, #tpu.memory_space<hbm>>) dst(%arg11 : memref<125x128xf32, #tpu.memory_space<vmem>>)
        "tpu.region"() ({
          %run_scoped3A = tpu.sem_alloc : memref<!tpu.dma_semaphore, #tpu.memory_space<semaphore_mem>>
          %dma_start3A_29 = arith.constant 0 : i32
          %dma_start3A_30 = tpu.memref_slice %arg10[%add3A_18, %dma_start3A_29] : memref<80x125xi32, #tpu.memory_space<vmem>> -> memref<1x125xi32, #tpu.memory_space<vmem>>
          %dma_start3A_31 = tpu.memref_squeeze %dma_start3A_30 : memref<1x125xi32, #tpu.memory_space<vmem>> -> memref<125xi32, #tpu.memory_space<vmem>>
          %dma_start3A_32 = arith.constant 0 : i32
          %dma_start3A_33 = arith.constant 0 : i32
          %dma_start3A_34 = tpu.memref_slice %arg12[%dma_start3A_32, %dma_start3A_33] : memref<10112x128xf32, #tpu.memory_space<vmem_shared>> -> memref<10112x128xf32, #tpu.memory_space<vmem_shared>>
          tpu.enqueue_indirect_dma source(%arg11 : memref<125x128xf32, #tpu.memory_space<vmem>>) target(%dma_start3A_34 : memref<10112x128xf32, #tpu.memory_space<vmem_shared>>) offsets(%dma_start3A_31 : memref<125xi32, #tpu.memory_space<vmem>>) semaphore(%run_scoped3A : memref<!tpu.dma_semaphore, #tpu.memory_space<semaphore_mem>>) {add = true}
          %dma_wait3A_35 = arith.constant 0 : i32
          %dma_wait3A_36 = tpu.memref_slice %arg10[%add3A_18, %dma_wait3A_35] : memref<80x125xi32, #tpu.memory_space<vmem>> -> memref<1x125xi32, #tpu.memory_space<vmem>>
          %dma_wait3A_37 = tpu.memref_squeeze %dma_wait3A_36 : memref<1x125xi32, #tpu.memory_space<vmem>> -> memref<125xi32, #tpu.memory_space<vmem>>
          %dma_wait3A_38 = arith.constant 0 : i32
          %dma_wait3A_39 = arith.constant 0 : i32
          %dma_wait3A_40 = tpu.memref_slice %arg12[%dma_wait3A_38, %dma_wait3A_39] : memref<10112x128xf32, #tpu.memory_space<vmem_shared>> -> memref<10112x128xf32, #tpu.memory_space<vmem_shared>>
          tpu.wait_indirect_dma semaphore(%run_scoped3A : memref<!tpu.dma_semaphore, #tpu.memory_space<semaphore_mem>>) src(%arg11 : memref<125x128xf32, #tpu.memory_space<vmem>>) dst(%dma_wait3A_40 : memref<10112x128xf32, #tpu.memory_space<vmem_shared>>)
          tpu.yield
        }) : () -> ()
      }
      %scan3A_11 = arith.constant 80 : i32
      %barrier3A_12 = arith.constant 0 : index
      tpu.barrier barrier_id(%barrier3A_12)
      %mul3A_13 = arith.constant 632 : i32
      %mul3A_14 = arith.muli %arg1, %mul3A_13 : i32
      "tpu.region"() ({
        %run_scoped3A = tpu.sem_alloc : memref<!tpu.dma_semaphore, #tpu.memory_space<semaphore_mem>>
        %dma_start3A = arith.constant 0 : i32
        %dma_start3A_15 = tpu.memref_slice %arg8[%mul3A_14, %dma_start3A] : memref<10112x128xf32, #tpu.memory_space<hbm>> -> memref<632x128xf32, #tpu.memory_space<hbm>>
        %dma_start3A_16 = arith.constant 0 : i32
        %dma_start3A_17 = tpu.memref_slice %arg12[%mul3A_14, %dma_start3A_16] : memref<10112x128xf32, #tpu.memory_space<vmem_shared>> -> memref<632x128xf32, #tpu.memory_space<vmem_shared>>
        tpu.enqueue_dma source(%dma_start3A_17 : memref<632x128xf32, #tpu.memory_space<vmem_shared>>) target(%dma_start3A_15 : memref<632x128xf32, #tpu.memory_space<hbm>>) target_semaphore(%run_scoped3A : memref<!tpu.dma_semaphore, #tpu.memory_space<semaphore_mem>>)
        %dma_wait3A = arith.constant 0 : i32
        %dma_wait3A_18 = tpu.memref_slice %arg8[%mul3A_14, %dma_wait3A] : memref<10112x128xf32, #tpu.memory_space<hbm>> -> memref<632x128xf32, #tpu.memory_space<hbm>>
        %dma_wait3A_19 = arith.constant 0 : i32
        %dma_wait3A_20 = tpu.memref_slice %arg12[%mul3A_14, %dma_wait3A_19] : memref<10112x128xf32, #tpu.memory_space<vmem_shared>> -> memref<632x128xf32, #tpu.memory_space<vmem_shared>>
        tpu.wait_dma2 semaphore(%run_scoped3A : memref<!tpu.dma_semaphore, #tpu.memory_space<semaphore_mem>>) src(%dma_wait3A_20 : memref<632x128xf32, #tpu.memory_space<vmem_shared>>) dst(%dma_wait3A_18 : memref<632x128xf32, #tpu.memory_space<hbm>>)
        tpu.yield
      }) : () -> ()
    } else {
    }
    return
  }
}

#map = affine_map<(d0, d1) -> (0, 0)>
#map1 = affine_map<(d0, d1) -> (0, 0, 0)>
module attributes {stable_mosaic.version = 14 : i64} {
  func.func @sc_agg(%arg0: i32, %arg1: i32, %arg2: memref<10000x128xf32, #tpu.memory_space<hbm>>, %arg3: memref<10000x128xf32, #tpu.memory_space<hbm>>, %arg4: memref<16x80x125xi32, #tpu.memory_space<hbm>>, %arg5: memref<16x80x125xi32, #tpu.memory_space<hbm>>, %arg6: memref<632x128xf32, #tpu.memory_space<hbm>>, %arg7: memref<10112x128xf32, #tpu.memory_space<hbm>>, %arg8: memref<10112x128xf32, #tpu.memory_space<hbm>>, %arg9: memref<80x125xi32, #tpu.memory_space<vmem>>, %arg10: memref<80x125xi32, #tpu.memory_space<vmem>>, %arg11: memref<125x128xf32, #tpu.memory_space<vmem>>, %arg12: memref<10112x128xf32, #tpu.memory_space<vmem_shared>>, %arg13: memref<!tpu.dma_semaphore, #tpu.memory_space<semaphore_mem>>) attributes {dimension_semantics = [#tpu.dimension_semantics<core_parallel>, #tpu.dimension_semantics<subcore_parallel>], iteration_bounds = array<i64: 2, 16>, scalar_prefetch = 0 : i64, scratch_operands = 5 : i64, tpu.core_type = #tpu.core_type<sc_vector_subcore>, window_params = [{transform_indices = #map}, {transform_indices = #map}, {transform_indices = #map1}, {transform_indices = #map1}, {transform_indices = #map}, {transform_indices = #map}, {transform_indices = #map}]} {
    %mul3A = arith.constant 632 : i32
    %mul3A_0 = arith.muli %arg1, %mul3A : i32
    "tpu.region"() ({
      %run_scoped3A = tpu.sem_alloc : memref<!tpu.dma_semaphore, #tpu.memory_space<semaphore_mem>>
      %dma_start3A = arith.constant 0 : i32
      %dma_start3A_8 = tpu.memref_slice %arg12[%mul3A_0, %dma_start3A] : memref<10112x128xf32, #tpu.memory_space<vmem_shared>> -> memref<632x128xf32, #tpu.memory_space<vmem_shared>>
      tpu.enqueue_dma source(%arg6 : memref<632x128xf32, #tpu.memory_space<hbm>>) target(%dma_start3A_8 : memref<632x128xf32, #tpu.memory_space<vmem_shared>>) target_semaphore(%run_scoped3A : memref<!tpu.dma_semaphore, #tpu.memory_space<semaphore_mem>>)
      %dma_wait3A = arith.constant 0 : i32
      %dma_wait3A_9 = tpu.memref_slice %arg12[%mul3A_0, %dma_wait3A] : memref<10112x128xf32, #tpu.memory_space<vmem_shared>> -> memref<632x128xf32, #tpu.memory_space<vmem_shared>>
      tpu.wait_dma2 semaphore(%run_scoped3A : memref<!tpu.dma_semaphore, #tpu.memory_space<semaphore_mem>>) src(%arg6 : memref<632x128xf32, #tpu.memory_space<hbm>>) dst(%dma_wait3A_9 : memref<632x128xf32, #tpu.memory_space<vmem_shared>>)
      tpu.yield
    }) : () -> ()
    "tpu.region"() ({
      %run_scoped3A = tpu.sem_alloc : memref<!tpu.dma_semaphore, #tpu.memory_space<semaphore_mem>>
      %dma_start3A = arith.constant 0 : i32
      %dma_start3A_8 = arith.constant 0 : i32
      %dma_start3A_9 = tpu.memref_slice %arg4[%arg1, %dma_start3A, %dma_start3A_8] : memref<16x80x125xi32, #tpu.memory_space<hbm>> -> memref<1x80x125xi32, #tpu.memory_space<hbm>>
      %dma_start3A_10 = tpu.memref_squeeze %dma_start3A_9 : memref<1x80x125xi32, #tpu.memory_space<hbm>> -> memref<80x125xi32, #tpu.memory_space<hbm>>
      %dma_start3A_11 = arith.constant 0 : i32
      %dma_start3A_12 = arith.constant 0 : i32
      %dma_start3A_13 = tpu.memref_slice %arg4[%arg1, %dma_start3A_11, %dma_start3A_12] : memref<16x80x125xi32, #tpu.memory_space<hbm>> -> memref<1x80x125xi32, #tpu.memory_space<hbm>>
      %dma_start3A_14 = tpu.memref_squeeze %dma_start3A_13 : memref<1x80x125xi32, #tpu.memory_space<hbm>> -> memref<80x125xi32, #tpu.memory_space<hbm>>
      tpu.enqueue_dma source(%dma_start3A_14 : memref<80x125xi32, #tpu.memory_space<hbm>>) target(%arg9 : memref<80x125xi32, #tpu.memory_space<vmem>>) target_semaphore(%run_scoped3A : memref<!tpu.dma_semaphore, #tpu.memory_space<semaphore_mem>>)
      %dma_wait3A = arith.constant 0 : i32
      %dma_wait3A_15 = arith.constant 0 : i32
      %dma_wait3A_16 = tpu.memref_slice %arg4[%arg1, %dma_wait3A, %dma_wait3A_15] : memref<16x80x125xi32, #tpu.memory_space<hbm>> -> memref<1x80x125xi32, #tpu.memory_space<hbm>>
      %dma_wait3A_17 = tpu.memref_squeeze %dma_wait3A_16 : memref<1x80x125xi32, #tpu.memory_space<hbm>> -> memref<80x125xi32, #tpu.memory_space<hbm>>
      %dma_wait3A_18 = arith.constant 0 : i32
      %dma_wait3A_19 = arith.constant 0 : i32
      %dma_wait3A_20 = tpu.memref_slice %arg4[%arg1, %dma_wait3A_18, %dma_wait3A_19] : memref<16x80x125xi32, #tpu.memory_space<hbm>> -> memref<1x80x125xi32, #tpu.memory_space<hbm>>
      %dma_wait3A_21 = tpu.memref_squeeze %dma_wait3A_20 : memref<1x80x125xi32, #tpu.memory_space<hbm>> -> memref<80x125xi32, #tpu.memory_space<hbm>>
      tpu.wait_dma2 semaphore(%run_scoped3A : memref<!tpu.dma_semaphore, #tpu.memory_space<semaphore_mem>>) src(%dma_wait3A_21 : memref<80x125xi32, #tpu.memory_space<hbm>>) dst(%arg9 : memref<80x125xi32, #tpu.memory_space<vmem>>)
      tpu.yield
    }) : () -> ()
    "tpu.region"() ({
      %run_scoped3A = tpu.sem_alloc : memref<!tpu.dma_semaphore, #tpu.memory_space<semaphore_mem>>
      %dma_start3A = arith.constant 0 : i32
      %dma_start3A_8 = arith.constant 0 : i32
      %dma_start3A_9 = tpu.memref_slice %arg5[%arg1, %dma_start3A, %dma_start3A_8] : memref<16x80x125xi32, #tpu.memory_space<hbm>> -> memref<1x80x125xi32, #tpu.memory_space<hbm>>
      %dma_start3A_10 = tpu.memref_squeeze %dma_start3A_9 : memref<1x80x125xi32, #tpu.memory_space<hbm>> -> memref<80x125xi32, #tpu.memory_space<hbm>>
      %dma_start3A_11 = arith.constant 0 : i32
      %dma_start3A_12 = arith.constant 0 : i32
      %dma_start3A_13 = tpu.memref_slice %arg5[%arg1, %dma_start3A_11, %dma_start3A_12] : memref<16x80x125xi32, #tpu.memory_space<hbm>> -> memref<1x80x125xi32, #tpu.memory_space<hbm>>
      %dma_start3A_14 = tpu.memref_squeeze %dma_start3A_13 : memref<1x80x125xi32, #tpu.memory_space<hbm>> -> memref<80x125xi32, #tpu.memory_space<hbm>>
      tpu.enqueue_dma source(%dma_start3A_14 : memref<80x125xi32, #tpu.memory_space<hbm>>) target(%arg10 : memref<80x125xi32, #tpu.memory_space<vmem>>) target_semaphore(%run_scoped3A : memref<!tpu.dma_semaphore, #tpu.memory_space<semaphore_mem>>)
      %dma_wait3A = arith.constant 0 : i32
      %dma_wait3A_15 = arith.constant 0 : i32
      %dma_wait3A_16 = tpu.memref_slice %arg5[%arg1, %dma_wait3A, %dma_wait3A_15] : memref<16x80x125xi32, #tpu.memory_space<hbm>> -> memref<1x80x125xi32, #tpu.memory_space<hbm>>
      %dma_wait3A_17 = tpu.memref_squeeze %dma_wait3A_16 : memref<1x80x125xi32, #tpu.memory_space<hbm>> -> memref<80x125xi32, #tpu.memory_space<hbm>>
      %dma_wait3A_18 = arith.constant 0 : i32
      %dma_wait3A_19 = arith.constant 0 : i32
      %dma_wait3A_20 = tpu.memref_slice %arg5[%arg1, %dma_wait3A_18, %dma_wait3A_19] : memref<16x80x125xi32, #tpu.memory_space<hbm>> -> memref<1x80x125xi32, #tpu.memory_space<hbm>>
      %dma_wait3A_21 = tpu.memref_squeeze %dma_wait3A_20 : memref<1x80x125xi32, #tpu.memory_space<hbm>> -> memref<80x125xi32, #tpu.memory_space<hbm>>
      tpu.wait_dma2 semaphore(%run_scoped3A : memref<!tpu.dma_semaphore, #tpu.memory_space<semaphore_mem>>) src(%dma_wait3A_21 : memref<80x125xi32, #tpu.memory_space<hbm>>) dst(%arg10 : memref<80x125xi32, #tpu.memory_space<vmem>>)
      tpu.yield
    }) : () -> ()
    %barrier3A = arith.constant 0 : index
    tpu.barrier barrier_id(%barrier3A)
    %eq3A = arith.constant 0 : i32
    %eq3A_1 = arith.cmpi eq, %arg0, %eq3A : i32
    %convert_element_type3A = arith.extui %eq3A_1 : i1 to i32
    %cond3A = arith.constant 0 : i32
    %cond3A_2 = arith.cmpi ne, %convert_element_type3A, %cond3A : i32
    scf.if %cond3A_2 {
      %scan3A = arith.constant 0 : i32
      %scan3A_8 = arith.constant 80 : i32
      %scan3A_9 = arith.addi %scan3A, %scan3A_8 : i32
      %scan3A_10 = arith.constant 1 : i32
      scf.for %scan3A_15 = %scan3A to %scan3A_9 step %scan3A_10  : i32 {
        %mul3A_16 = arith.constant 1 : i32
        %mul3A_17 = arith.muli %scan3A_15, %mul3A_16 : i32
        %add3A = arith.constant 0 : i32
        %add3A_18 = arith.addi %add3A, %mul3A_17 : i32
        %dma_start3A = arith.constant 0 : i32
        %dma_start3A_19 = tpu.memref_slice %arg9[%add3A_18, %dma_start3A] : memref<80x125xi32, #tpu.memory_space<vmem>> -> memref<1x125xi32, #tpu.memory_space<vmem>>
        %dma_start3A_20 = tpu.memref_squeeze %dma_start3A_19 : memref<1x125xi32, #tpu.memory_space<vmem>> -> memref<125xi32, #tpu.memory_space<vmem>>
        %dma_start3A_21 = arith.constant 0 : i32
        %dma_start3A_22 = arith.constant 0 : i32
        %dma_start3A_23 = tpu.memref_slice %arg2[%dma_start3A_21, %dma_start3A_22] : memref<10000x128xf32, #tpu.memory_space<hbm>> -> memref<10000x128xf32, #tpu.memory_space<hbm>>
        tpu.enqueue_indirect_dma source(%dma_start3A_23 : memref<10000x128xf32, #tpu.memory_space<hbm>>) target(%arg11 : memref<125x128xf32, #tpu.memory_space<vmem>>) offsets(%dma_start3A_20 : memref<125xi32, #tpu.memory_space<vmem>>) semaphore(%arg13 : memref<!tpu.dma_semaphore, #tpu.memory_space<semaphore_mem>>)
        %dma_wait3A = arith.constant 0 : i32
        %dma_wait3A_24 = tpu.memref_slice %arg9[%add3A_18, %dma_wait3A] : memref<80x125xi32, #tpu.memory_space<vmem>> -> memref<1x125xi32, #tpu.memory_space<vmem>>
        %dma_wait3A_25 = tpu.memref_squeeze %dma_wait3A_24 : memref<1x125xi32, #tpu.memory_space<vmem>> -> memref<125xi32, #tpu.memory_space<vmem>>
        %dma_wait3A_26 = arith.constant 0 : i32
        %dma_wait3A_27 = arith.constant 0 : i32
        %dma_wait3A_28 = tpu.memref_slice %arg2[%dma_wait3A_26, %dma_wait3A_27] : memref<10000x128xf32, #tpu.memory_space<hbm>> -> memref<10000x128xf32, #tpu.memory_space<hbm>>
        tpu.wait_indirect_dma semaphore(%arg13 : memref<!tpu.dma_semaphore, #tpu.memory_space<semaphore_mem>>) src(%dma_wait3A_28 : memref<10000x128xf32, #tpu.memory_space<hbm>>) dst(%arg11 : memref<125x128xf32, #tpu.memory_space<vmem>>)
        "tpu.region"() ({
          %run_scoped3A = tpu.sem_alloc : memref<!tpu.dma_semaphore, #tpu.memory_space<semaphore_mem>>
          %dma_start3A_29 = arith.constant 0 : i32
          %dma_start3A_30 = tpu.memref_slice %arg10[%add3A_18, %dma_start3A_29] : memref<80x125xi32, #tpu.memory_space<vmem>> -> memref<1x125xi32, #tpu.memory_space<vmem>>
          %dma_start3A_31 = tpu.memref_squeeze %dma_start3A_30 : memref<1x125xi32, #tpu.memory_space<vmem>> -> memref<125xi32, #tpu.memory_space<vmem>>
          %dma_start3A_32 = arith.constant 0 : i32
          %dma_start3A_33 = arith.constant 0 : i32
          %dma_start3A_34 = tpu.memref_slice %arg12[%dma_start3A_32, %dma_start3A_33] : memref<10112x128xf32, #tpu.memory_space<vmem_shared>> -> memref<10112x128xf32, #tpu.memory_space<vmem_shared>>
          tpu.enqueue_indirect_dma source(%arg11 : memref<125x128xf32, #tpu.memory_space<vmem>>) target(%dma_start3A_34 : memref<10112x128xf32, #tpu.memory_space<vmem_shared>>) offsets(%dma_start3A_31 : memref<125xi32, #tpu.memory_space<vmem>>) semaphore(%run_scoped3A : memref<!tpu.dma_semaphore, #tpu.memory_space<semaphore_mem>>) {add = true}
          %dma_wait3A_35 = arith.constant 0 : i32
          %dma_wait3A_36 = tpu.memref_slice %arg10[%add3A_18, %dma_wait3A_35] : memref<80x125xi32, #tpu.memory_space<vmem>> -> memref<1x125xi32, #tpu.memory_space<vmem>>
          %dma_wait3A_37 = tpu.memref_squeeze %dma_wait3A_36 : memref<1x125xi32, #tpu.memory_space<vmem>> -> memref<125xi32, #tpu.memory_space<vmem>>
          %dma_wait3A_38 = arith.constant 0 : i32
          %dma_wait3A_39 = arith.constant 0 : i32
          %dma_wait3A_40 = tpu.memref_slice %arg12[%dma_wait3A_38, %dma_wait3A_39] : memref<10112x128xf32, #tpu.memory_space<vmem_shared>> -> memref<10112x128xf32, #tpu.memory_space<vmem_shared>>
          tpu.wait_indirect_dma semaphore(%run_scoped3A : memref<!tpu.dma_semaphore, #tpu.memory_space<semaphore_mem>>) src(%arg11 : memref<125x128xf32, #tpu.memory_space<vmem>>) dst(%dma_wait3A_40 : memref<10112x128xf32, #tpu.memory_space<vmem_shared>>)
          tpu.yield
        }) : () -> ()
      }
      %scan3A_11 = arith.constant 80 : i32
      %barrier3A_12 = arith.constant 0 : index
      tpu.barrier barrier_id(%barrier3A_12)
      %mul3A_13 = arith.constant 632 : i32
      %mul3A_14 = arith.muli %arg1, %mul3A_13 : i32
      "tpu.region"() ({
        %run_scoped3A = tpu.sem_alloc : memref<!tpu.dma_semaphore, #tpu.memory_space<semaphore_mem>>
        %dma_start3A = arith.constant 0 : i32
        %dma_start3A_15 = tpu.memref_slice %arg7[%mul3A_14, %dma_start3A] : memref<10112x128xf32, #tpu.memory_space<hbm>> -> memref<632x128xf32, #tpu.memory_space<hbm>>
        %dma_start3A_16 = arith.constant 0 : i32
        %dma_start3A_17 = tpu.memref_slice %arg12[%mul3A_14, %dma_start3A_16] : memref<10112x128xf32, #tpu.memory_space<vmem_shared>> -> memref<632x128xf32, #tpu.memory_space<vmem_shared>>
        tpu.enqueue_dma source(%dma_start3A_17 : memref<632x128xf32, #tpu.memory_space<vmem_shared>>) target(%dma_start3A_15 : memref<632x128xf32, #tpu.memory_space<hbm>>) target_semaphore(%run_scoped3A : memref<!tpu.dma_semaphore, #tpu.memory_space<semaphore_mem>>)
        %dma_wait3A = arith.constant 0 : i32
        %dma_wait3A_18 = tpu.memref_slice %arg7[%mul3A_14, %dma_wait3A] : memref<10112x128xf32, #tpu.memory_space<hbm>> -> memref<632x128xf32, #tpu.memory_space<hbm>>
        %dma_wait3A_19 = arith.constant 0 : i32
        %dma_wait3A_20 = tpu.memref_slice %arg12[%mul3A_14, %dma_wait3A_19] : memref<10112x128xf32, #tpu.memory_space<vmem_shared>> -> memref<632x128xf32, #tpu.memory_space<vmem_shared>>
        tpu.wait_dma2 semaphore(%run_scoped3A : memref<!tpu.dma_semaphore, #tpu.memory_space<semaphore_mem>>) src(%dma_wait3A_20 : memref<632x128xf32, #tpu.memory_space<vmem_shared>>) dst(%dma_wait3A_18 : memref<632x128xf32, #tpu.memory_space<hbm>>)
        tpu.yield
      }) : () -> ()
    } else {
    }
    %eq3A_3 = arith.constant 1 : i32
    %eq3A_4 = arith.cmpi eq, %arg0, %eq3A_3 : i32
    %convert_element_type3A_5 = arith.extui %eq3A_4 : i1 to i32
    %cond3A_6 = arith.constant 0 : i32
    %cond3A_7 = arith.cmpi ne, %convert_element_type3A_5, %cond3A_6 : i32
    scf.if %cond3A_7 {
      %scan3A = arith.constant 0 : i32
      %scan3A_8 = arith.constant 80 : i32
      %scan3A_9 = arith.addi %scan3A, %scan3A_8 : i32
      %scan3A_10 = arith.constant 1 : i32
      scf.for %scan3A_15 = %scan3A to %scan3A_9 step %scan3A_10  : i32 {
        %mul3A_16 = arith.constant 1 : i32
        %mul3A_17 = arith.muli %scan3A_15, %mul3A_16 : i32
        %add3A = arith.constant 0 : i32
        %add3A_18 = arith.addi %add3A, %mul3A_17 : i32
        %dma_start3A = arith.constant 0 : i32
        %dma_start3A_19 = tpu.memref_slice %arg9[%add3A_18, %dma_start3A] : memref<80x125xi32, #tpu.memory_space<vmem>> -> memref<1x125xi32, #tpu.memory_space<vmem>>
        %dma_start3A_20 = tpu.memref_squeeze %dma_start3A_19 : memref<1x125xi32, #tpu.memory_space<vmem>> -> memref<125xi32, #tpu.memory_space<vmem>>
        %dma_start3A_21 = arith.constant 0 : i32
        %dma_start3A_22 = arith.constant 0 : i32
        %dma_start3A_23 = tpu.memref_slice %arg3[%dma_start3A_21, %dma_start3A_22] : memref<10000x128xf32, #tpu.memory_space<hbm>> -> memref<10000x128xf32, #tpu.memory_space<hbm>>
        tpu.enqueue_indirect_dma source(%dma_start3A_23 : memref<10000x128xf32, #tpu.memory_space<hbm>>) target(%arg11 : memref<125x128xf32, #tpu.memory_space<vmem>>) offsets(%dma_start3A_20 : memref<125xi32, #tpu.memory_space<vmem>>) semaphore(%arg13 : memref<!tpu.dma_semaphore, #tpu.memory_space<semaphore_mem>>)
        %dma_wait3A = arith.constant 0 : i32
        %dma_wait3A_24 = tpu.memref_slice %arg9[%add3A_18, %dma_wait3A] : memref<80x125xi32, #tpu.memory_space<vmem>> -> memref<1x125xi32, #tpu.memory_space<vmem>>
        %dma_wait3A_25 = tpu.memref_squeeze %dma_wait3A_24 : memref<1x125xi32, #tpu.memory_space<vmem>> -> memref<125xi32, #tpu.memory_space<vmem>>
        %dma_wait3A_26 = arith.constant 0 : i32
        %dma_wait3A_27 = arith.constant 0 : i32
        %dma_wait3A_28 = tpu.memref_slice %arg3[%dma_wait3A_26, %dma_wait3A_27] : memref<10000x128xf32, #tpu.memory_space<hbm>> -> memref<10000x128xf32, #tpu.memory_space<hbm>>
        tpu.wait_indirect_dma semaphore(%arg13 : memref<!tpu.dma_semaphore, #tpu.memory_space<semaphore_mem>>) src(%dma_wait3A_28 : memref<10000x128xf32, #tpu.memory_space<hbm>>) dst(%arg11 : memref<125x128xf32, #tpu.memory_space<vmem>>)
        "tpu.region"() ({
          %run_scoped3A = tpu.sem_alloc : memref<!tpu.dma_semaphore, #tpu.memory_space<semaphore_mem>>
          %dma_start3A_29 = arith.constant 0 : i32
          %dma_start3A_30 = tpu.memref_slice %arg10[%add3A_18, %dma_start3A_29] : memref<80x125xi32, #tpu.memory_space<vmem>> -> memref<1x125xi32, #tpu.memory_space<vmem>>
          %dma_start3A_31 = tpu.memref_squeeze %dma_start3A_30 : memref<1x125xi32, #tpu.memory_space<vmem>> -> memref<125xi32, #tpu.memory_space<vmem>>
          %dma_start3A_32 = arith.constant 0 : i32
          %dma_start3A_33 = arith.constant 0 : i32
          %dma_start3A_34 = tpu.memref_slice %arg12[%dma_start3A_32, %dma_start3A_33] : memref<10112x128xf32, #tpu.memory_space<vmem_shared>> -> memref<10112x128xf32, #tpu.memory_space<vmem_shared>>
          tpu.enqueue_indirect_dma source(%arg11 : memref<125x128xf32, #tpu.memory_space<vmem>>) target(%dma_start3A_34 : memref<10112x128xf32, #tpu.memory_space<vmem_shared>>) offsets(%dma_start3A_31 : memref<125xi32, #tpu.memory_space<vmem>>) semaphore(%run_scoped3A : memref<!tpu.dma_semaphore, #tpu.memory_space<semaphore_mem>>) {add = true}
          %dma_wait3A_35 = arith.constant 0 : i32
          %dma_wait3A_36 = tpu.memref_slice %arg10[%add3A_18, %dma_wait3A_35] : memref<80x125xi32, #tpu.memory_space<vmem>> -> memref<1x125xi32, #tpu.memory_space<vmem>>
          %dma_wait3A_37 = tpu.memref_squeeze %dma_wait3A_36 : memref<1x125xi32, #tpu.memory_space<vmem>> -> memref<125xi32, #tpu.memory_space<vmem>>
          %dma_wait3A_38 = arith.constant 0 : i32
          %dma_wait3A_39 = arith.constant 0 : i32
          %dma_wait3A_40 = tpu.memref_slice %arg12[%dma_wait3A_38, %dma_wait3A_39] : memref<10112x128xf32, #tpu.memory_space<vmem_shared>> -> memref<10112x128xf32, #tpu.memory_space<vmem_shared>>
          tpu.wait_indirect_dma semaphore(%run_scoped3A : memref<!tpu.dma_semaphore, #tpu.memory_space<semaphore_mem>>) src(%arg11 : memref<125x128xf32, #tpu.memory_space<vmem>>) dst(%dma_wait3A_40 : memref<10112x128xf32, #tpu.memory_space<vmem_shared>>)
          tpu.yield
        }) : () -> ()
      }
      %scan3A_11 = arith.constant 80 : i32
      %barrier3A_12 = arith.constant 0 : index
      tpu.barrier barrier_id(%barrier3A_12)
      %mul3A_13 = arith.constant 632 : i32
      %mul3A_14 = arith.muli %arg1, %mul3A_13 : i32
      "tpu.region"() ({
        %run_scoped3A = tpu.sem_alloc : memref<!tpu.dma_semaphore, #tpu.memory_space<semaphore_mem>>
        %dma_start3A = arith.constant 0 : i32
        %dma_start3A_15 = tpu.memref_slice %arg8[%mul3A_14, %dma_start3A] : memref<10112x128xf32, #tpu.memory_space<hbm>> -> memref<632x128xf32, #tpu.memory_space<hbm>>
        %dma_start3A_16 = arith.constant 0 : i32
        %dma_start3A_17 = tpu.memref_slice %arg12[%mul3A_14, %dma_start3A_16] : memref<10112x128xf32, #tpu.memory_space<vmem_shared>> -> memref<632x128xf32, #tpu.memory_space<vmem_shared>>
        tpu.enqueue_dma source(%dma_start3A_17 : memref<632x128xf32, #tpu.memory_space<vmem_shared>>) target(%dma_start3A_15 : memref<632x128xf32, #tpu.memory_space<hbm>>) target_semaphore(%run_scoped3A : memref<!tpu.dma_semaphore, #tpu.memory_space<semaphore_mem>>)
        %dma_wait3A = arith.constant 0 : i32
        %dma_wait3A_18 = tpu.memref_slice %arg8[%mul3A_14, %dma_wait3A] : memref<10112x128xf32, #tpu.memory_space<hbm>> -> memref<632x128xf32, #tpu.memory_space<hbm>>
        %dma_wait3A_19 = arith.constant 0 : i32
        %dma_wait3A_20 = tpu.memref_slice %arg12[%mul3A_14, %dma_wait3A_19] : memref<10112x128xf32, #tpu.memory_space<vmem_shared>> -> memref<632x128xf32, #tpu.memory_space<vmem_shared>>
        tpu.wait_dma2 semaphore(%run_scoped3A : memref<!tpu.dma_semaphore, #tpu.memory_space<semaphore_mem>>) src(%dma_wait3A_20 : memref<632x128xf32, #tpu.memory_space<vmem_shared>>) dst(%dma_wait3A_18 : memref<632x128xf32, #tpu.memory_space<hbm>>)
        tpu.yield
      }) : () -> ()
    } else {
    }
    return
  }
}

#map = affine_map<(d0, d1) -> (0, 0)>
#map1 = affine_map<(d0, d1) -> (0, 0, 0)>
module attributes {stable_mosaic.version = 14 : i64} {
  func.func @sc_agg(%arg0: i32, %arg1: i32, %arg2: memref<10000x128xf32, #tpu.memory_space<hbm>>, %arg3: memref<10000x128xf32, #tpu.memory_space<hbm>>, %arg4: memref<16x80x125xi32, #tpu.memory_space<hbm>>, %arg5: memref<16x80x125xi32, #tpu.memory_space<hbm>>, %arg6: memref<632x128xf32, #tpu.memory_space<hbm>>, %arg7: memref<10112x128xf32, #tpu.memory_space<hbm>>, %arg8: memref<10112x128xf32, #tpu.memory_space<hbm>>, %arg9: memref<80x125xi32, #tpu.memory_space<vmem>>, %arg10: memref<80x125xi32, #tpu.memory_space<vmem>>, %arg11: memref<125x128xf32, #tpu.memory_space<vmem>>, %arg12: memref<10112x128xf32, #tpu.memory_space<vmem_shared>>, %arg13: memref<!tpu.dma_semaphore, #tpu.memory_space<semaphore_mem>>) attributes {dimension_semantics = [#tpu.dimension_semantics<core_parallel>, #tpu.dimension_semantics<subcore_parallel>], iteration_bounds = array<i64: 2, 16>, scalar_prefetch = 0 : i64, scratch_operands = 5 : i64, tpu.core_type = #tpu.core_type<sc_vector_subcore>, window_params = [{transform_indices = #map}, {transform_indices = #map}, {transform_indices = #map1}, {transform_indices = #map1}, {transform_indices = #map}, {transform_indices = #map}, {transform_indices = #map}]} {
    %mul3A = arith.constant 632 : i32
    %mul3A_0 = arith.muli %arg1, %mul3A : i32
    "tpu.region"() ({
      %run_scoped3A = tpu.sem_alloc : memref<!tpu.dma_semaphore, #tpu.memory_space<semaphore_mem>>
      %dma_start3A = arith.constant 0 : i32
      %dma_start3A_8 = tpu.memref_slice %arg12[%mul3A_0, %dma_start3A] : memref<10112x128xf32, #tpu.memory_space<vmem_shared>> -> memref<632x128xf32, #tpu.memory_space<vmem_shared>>
      tpu.enqueue_dma source(%arg6 : memref<632x128xf32, #tpu.memory_space<hbm>>) target(%dma_start3A_8 : memref<632x128xf32, #tpu.memory_space<vmem_shared>>) target_semaphore(%run_scoped3A : memref<!tpu.dma_semaphore, #tpu.memory_space<semaphore_mem>>)
      %dma_wait3A = arith.constant 0 : i32
      %dma_wait3A_9 = tpu.memref_slice %arg12[%mul3A_0, %dma_wait3A] : memref<10112x128xf32, #tpu.memory_space<vmem_shared>> -> memref<632x128xf32, #tpu.memory_space<vmem_shared>>
      tpu.wait_dma2 semaphore(%run_scoped3A : memref<!tpu.dma_semaphore, #tpu.memory_space<semaphore_mem>>) src(%arg6 : memref<632x128xf32, #tpu.memory_space<hbm>>) dst(%dma_wait3A_9 : memref<632x128xf32, #tpu.memory_space<vmem_shared>>)
      tpu.yield
    }) : () -> ()
    "tpu.region"() ({
      %run_scoped3A = tpu.sem_alloc : memref<!tpu.dma_semaphore, #tpu.memory_space<semaphore_mem>>
      %dma_start3A = arith.constant 0 : i32
      %dma_start3A_8 = arith.constant 0 : i32
      %dma_start3A_9 = tpu.memref_slice %arg4[%arg1, %dma_start3A, %dma_start3A_8] : memref<16x80x125xi32, #tpu.memory_space<hbm>> -> memref<1x80x125xi32, #tpu.memory_space<hbm>>
      %dma_start3A_10 = tpu.memref_squeeze %dma_start3A_9 : memref<1x80x125xi32, #tpu.memory_space<hbm>> -> memref<80x125xi32, #tpu.memory_space<hbm>>
      %dma_start3A_11 = arith.constant 0 : i32
      %dma_start3A_12 = arith.constant 0 : i32
      %dma_start3A_13 = tpu.memref_slice %arg4[%arg1, %dma_start3A_11, %dma_start3A_12] : memref<16x80x125xi32, #tpu.memory_space<hbm>> -> memref<1x80x125xi32, #tpu.memory_space<hbm>>
      %dma_start3A_14 = tpu.memref_squeeze %dma_start3A_13 : memref<1x80x125xi32, #tpu.memory_space<hbm>> -> memref<80x125xi32, #tpu.memory_space<hbm>>
      tpu.enqueue_dma source(%dma_start3A_14 : memref<80x125xi32, #tpu.memory_space<hbm>>) target(%arg9 : memref<80x125xi32, #tpu.memory_space<vmem>>) target_semaphore(%run_scoped3A : memref<!tpu.dma_semaphore, #tpu.memory_space<semaphore_mem>>)
      %dma_wait3A = arith.constant 0 : i32
      %dma_wait3A_15 = arith.constant 0 : i32
      %dma_wait3A_16 = tpu.memref_slice %arg4[%arg1, %dma_wait3A, %dma_wait3A_15] : memref<16x80x125xi32, #tpu.memory_space<hbm>> -> memref<1x80x125xi32, #tpu.memory_space<hbm>>
      %dma_wait3A_17 = tpu.memref_squeeze %dma_wait3A_16 : memref<1x80x125xi32, #tpu.memory_space<hbm>> -> memref<80x125xi32, #tpu.memory_space<hbm>>
      %dma_wait3A_18 = arith.constant 0 : i32
      %dma_wait3A_19 = arith.constant 0 : i32
      %dma_wait3A_20 = tpu.memref_slice %arg4[%arg1, %dma_wait3A_18, %dma_wait3A_19] : memref<16x80x125xi32, #tpu.memory_space<hbm>> -> memref<1x80x125xi32, #tpu.memory_space<hbm>>
      %dma_wait3A_21 = tpu.memref_squeeze %dma_wait3A_20 : memref<1x80x125xi32, #tpu.memory_space<hbm>> -> memref<80x125xi32, #tpu.memory_space<hbm>>
      tpu.wait_dma2 semaphore(%run_scoped3A : memref<!tpu.dma_semaphore, #tpu.memory_space<semaphore_mem>>) src(%dma_wait3A_21 : memref<80x125xi32, #tpu.memory_space<hbm>>) dst(%arg9 : memref<80x125xi32, #tpu.memory_space<vmem>>)
      tpu.yield
    }) : () -> ()
    "tpu.region"() ({
      %run_scoped3A = tpu.sem_alloc : memref<!tpu.dma_semaphore, #tpu.memory_space<semaphore_mem>>
      %dma_start3A = arith.constant 0 : i32
      %dma_start3A_8 = arith.constant 0 : i32
      %dma_start3A_9 = tpu.memref_slice %arg5[%arg1, %dma_start3A, %dma_start3A_8] : memref<16x80x125xi32, #tpu.memory_space<hbm>> -> memref<1x80x125xi32, #tpu.memory_space<hbm>>
      %dma_start3A_10 = tpu.memref_squeeze %dma_start3A_9 : memref<1x80x125xi32, #tpu.memory_space<hbm>> -> memref<80x125xi32, #tpu.memory_space<hbm>>
      %dma_start3A_11 = arith.constant 0 : i32
      %dma_start3A_12 = arith.constant 0 : i32
      %dma_start3A_13 = tpu.memref_slice %arg5[%arg1, %dma_start3A_11, %dma_start3A_12] : memref<16x80x125xi32, #tpu.memory_space<hbm>> -> memref<1x80x125xi32, #tpu.memory_space<hbm>>
      %dma_start3A_14 = tpu.memref_squeeze %dma_start3A_13 : memref<1x80x125xi32, #tpu.memory_space<hbm>> -> memref<80x125xi32, #tpu.memory_space<hbm>>
      tpu.enqueue_dma source(%dma_start3A_14 : memref<80x125xi32, #tpu.memory_space<hbm>>) target(%arg10 : memref<80x125xi32, #tpu.memory_space<vmem>>) target_semaphore(%run_scoped3A : memref<!tpu.dma_semaphore, #tpu.memory_space<semaphore_mem>>)
      %dma_wait3A = arith.constant 0 : i32
      %dma_wait3A_15 = arith.constant 0 : i32
      %dma_wait3A_16 = tpu.memref_slice %arg5[%arg1, %dma_wait3A, %dma_wait3A_15] : memref<16x80x125xi32, #tpu.memory_space<hbm>> -> memref<1x80x125xi32, #tpu.memory_space<hbm>>
      %dma_wait3A_17 = tpu.memref_squeeze %dma_wait3A_16 : memref<1x80x125xi32, #tpu.memory_space<hbm>> -> memref<80x125xi32, #tpu.memory_space<hbm>>
      %dma_wait3A_18 = arith.constant 0 : i32
      %dma_wait3A_19 = arith.constant 0 : i32
      %dma_wait3A_20 = tpu.memref_slice %arg5[%arg1, %dma_wait3A_18, %dma_wait3A_19] : memref<16x80x125xi32, #tpu.memory_space<hbm>> -> memref<1x80x125xi32, #tpu.memory_space<hbm>>
      %dma_wait3A_21 = tpu.memref_squeeze %dma_wait3A_20 : memref<1x80x125xi32, #tpu.memory_space<hbm>> -> memref<80x125xi32, #tpu.memory_space<hbm>>
      tpu.wait_dma2 semaphore(%run_scoped3A : memref<!tpu.dma_semaphore, #tpu.memory_space<semaphore_mem>>) src(%dma_wait3A_21 : memref<80x125xi32, #tpu.memory_space<hbm>>) dst(%arg10 : memref<80x125xi32, #tpu.memory_space<vmem>>)
      tpu.yield
    }) : () -> ()
    %barrier3A = arith.constant 0 : index
    tpu.barrier barrier_id(%barrier3A)
    %eq3A = arith.constant 0 : i32
    %eq3A_1 = arith.cmpi eq, %arg0, %eq3A : i32
    %convert_element_type3A = arith.extui %eq3A_1 : i1 to i32
    %cond3A = arith.constant 0 : i32
    %cond3A_2 = arith.cmpi ne, %convert_element_type3A, %cond3A : i32
    scf.if %cond3A_2 {
      %scan3A = arith.constant 0 : i32
      %scan3A_8 = arith.constant 80 : i32
      %scan3A_9 = arith.addi %scan3A, %scan3A_8 : i32
      %scan3A_10 = arith.constant 1 : i32
      scf.for %scan3A_15 = %scan3A to %scan3A_9 step %scan3A_10  : i32 {
        %mul3A_16 = arith.constant 1 : i32
        %mul3A_17 = arith.muli %scan3A_15, %mul3A_16 : i32
        %add3A = arith.constant 0 : i32
        %add3A_18 = arith.addi %add3A, %mul3A_17 : i32
        %dma_start3A = arith.constant 0 : i32
        %dma_start3A_19 = tpu.memref_slice %arg9[%add3A_18, %dma_start3A] : memref<80x125xi32, #tpu.memory_space<vmem>> -> memref<1x125xi32, #tpu.memory_space<vmem>>
        %dma_start3A_20 = tpu.memref_squeeze %dma_start3A_19 : memref<1x125xi32, #tpu.memory_space<vmem>> -> memref<125xi32, #tpu.memory_space<vmem>>
        %dma_start3A_21 = arith.constant 0 : i32
        %dma_start3A_22 = arith.constant 0 : i32
        %dma_start3A_23 = tpu.memref_slice %arg2[%dma_start3A_21, %dma_start3A_22] : memref<10000x128xf32, #tpu.memory_space<hbm>> -> memref<10000x128xf32, #tpu.memory_space<hbm>>
        tpu.enqueue_indirect_dma source(%dma_start3A_23 : memref<10000x128xf32, #tpu.memory_space<hbm>>) target(%arg11 : memref<125x128xf32, #tpu.memory_space<vmem>>) offsets(%dma_start3A_20 : memref<125xi32, #tpu.memory_space<vmem>>) semaphore(%arg13 : memref<!tpu.dma_semaphore, #tpu.memory_space<semaphore_mem>>)
        %dma_wait3A = arith.constant 0 : i32
        %dma_wait3A_24 = tpu.memref_slice %arg9[%add3A_18, %dma_wait3A] : memref<80x125xi32, #tpu.memory_space<vmem>> -> memref<1x125xi32, #tpu.memory_space<vmem>>
        %dma_wait3A_25 = tpu.memref_squeeze %dma_wait3A_24 : memref<1x125xi32, #tpu.memory_space<vmem>> -> memref<125xi32, #tpu.memory_space<vmem>>
        %dma_wait3A_26 = arith.constant 0 : i32
        %dma_wait3A_27 = arith.constant 0 : i32
        %dma_wait3A_28 = tpu.memref_slice %arg2[%dma_wait3A_26, %dma_wait3A_27] : memref<10000x128xf32, #tpu.memory_space<hbm>> -> memref<10000x128xf32, #tpu.memory_space<hbm>>
        tpu.wait_indirect_dma semaphore(%arg13 : memref<!tpu.dma_semaphore, #tpu.memory_space<semaphore_mem>>) src(%dma_wait3A_28 : memref<10000x128xf32, #tpu.memory_space<hbm>>) dst(%arg11 : memref<125x128xf32, #tpu.memory_space<vmem>>)
        "tpu.region"() ({
          %run_scoped3A = tpu.sem_alloc : memref<!tpu.dma_semaphore, #tpu.memory_space<semaphore_mem>>
          %dma_start3A_29 = arith.constant 0 : i32
          %dma_start3A_30 = tpu.memref_slice %arg10[%add3A_18, %dma_start3A_29] : memref<80x125xi32, #tpu.memory_space<vmem>> -> memref<1x125xi32, #tpu.memory_space<vmem>>
          %dma_start3A_31 = tpu.memref_squeeze %dma_start3A_30 : memref<1x125xi32, #tpu.memory_space<vmem>> -> memref<125xi32, #tpu.memory_space<vmem>>
          %dma_start3A_32 = arith.constant 0 : i32
          %dma_start3A_33 = arith.constant 0 : i32
          %dma_start3A_34 = tpu.memref_slice %arg12[%dma_start3A_32, %dma_start3A_33] : memref<10112x128xf32, #tpu.memory_space<vmem_shared>> -> memref<10112x128xf32, #tpu.memory_space<vmem_shared>>
          tpu.enqueue_indirect_dma source(%arg11 : memref<125x128xf32, #tpu.memory_space<vmem>>) target(%dma_start3A_34 : memref<10112x128xf32, #tpu.memory_space<vmem_shared>>) offsets(%dma_start3A_31 : memref<125xi32, #tpu.memory_space<vmem>>) semaphore(%run_scoped3A : memref<!tpu.dma_semaphore, #tpu.memory_space<semaphore_mem>>) {add = true}
          %dma_wait3A_35 = arith.constant 0 : i32
          %dma_wait3A_36 = tpu.memref_slice %arg10[%add3A_18, %dma_wait3A_35] : memref<80x125xi32, #tpu.memory_space<vmem>> -> memref<1x125xi32, #tpu.memory_space<vmem>>
          %dma_wait3A_37 = tpu.memref_squeeze %dma_wait3A_36 : memref<1x125xi32, #tpu.memory_space<vmem>> -> memref<125xi32, #tpu.memory_space<vmem>>
          %dma_wait3A_38 = arith.constant 0 : i32
          %dma_wait3A_39 = arith.constant 0 : i32
          %dma_wait3A_40 = tpu.memref_slice %arg12[%dma_wait3A_38, %dma_wait3A_39] : memref<10112x128xf32, #tpu.memory_space<vmem_shared>> -> memref<10112x128xf32, #tpu.memory_space<vmem_shared>>
          tpu.wait_indirect_dma semaphore(%run_scoped3A : memref<!tpu.dma_semaphore, #tpu.memory_space<semaphore_mem>>) src(%arg11 : memref<125x128xf32, #tpu.memory_space<vmem>>) dst(%dma_wait3A_40 : memref<10112x128xf32, #tpu.memory_space<vmem_shared>>)
          tpu.yield
        }) : () -> ()
      }
      %scan3A_11 = arith.constant 80 : i32
      %barrier3A_12 = arith.constant 0 : index
      tpu.barrier barrier_id(%barrier3A_12)
      %mul3A_13 = arith.constant 632 : i32
      %mul3A_14 = arith.muli %arg1, %mul3A_13 : i32
      "tpu.region"() ({
        %run_scoped3A = tpu.sem_alloc : memref<!tpu.dma_semaphore, #tpu.memory_space<semaphore_mem>>
        %dma_start3A = arith.constant 0 : i32
        %dma_start3A_15 = tpu.memref_slice %arg7[%mul3A_14, %dma_start3A] : memref<10112x128xf32, #tpu.memory_space<hbm>> -> memref<632x128xf32, #tpu.memory_space<hbm>>
        %dma_start3A_16 = arith.constant 0 : i32
        %dma_start3A_17 = tpu.memref_slice %arg12[%mul3A_14, %dma_start3A_16] : memref<10112x128xf32, #tpu.memory_space<vmem_shared>> -> memref<632x128xf32, #tpu.memory_space<vmem_shared>>
        tpu.enqueue_dma source(%dma_start3A_17 : memref<632x128xf32, #tpu.memory_space<vmem_shared>>) target(%dma_start3A_15 : memref<632x128xf32, #tpu.memory_space<hbm>>) target_semaphore(%run_scoped3A : memref<!tpu.dma_semaphore, #tpu.memory_space<semaphore_mem>>)
        %dma_wait3A = arith.constant 0 : i32
        %dma_wait3A_18 = tpu.memref_slice %arg7[%mul3A_14, %dma_wait3A] : memref<10112x128xf32, #tpu.memory_space<hbm>> -> memref<632x128xf32, #tpu.memory_space<hbm>>
        %dma_wait3A_19 = arith.constant 0 : i32
        %dma_wait3A_20 = tpu.memref_slice %arg12[%mul3A_14, %dma_wait3A_19] : memref<10112x128xf32, #tpu.memory_space<vmem_shared>> -> memref<632x128xf32, #tpu.memory_space<vmem_shared>>
        tpu.wait_dma2 semaphore(%run_scoped3A : memref<!tpu.dma_semaphore, #tpu.memory_space<semaphore_mem>>) src(%dma_wait3A_20 : memref<632x128xf32, #tpu.memory_space<vmem_shared>>) dst(%dma_wait3A_18 : memref<632x128xf32, #tpu.memory_space<hbm>>)
        tpu.yield
      }) : () -> ()
    } else {
    }
    %eq3A_3 = arith.constant 1 : i32
    %eq3A_4 = arith.cmpi eq, %arg0, %eq3A_3 : i32
    %convert_element_type3A_5 = arith.extui %eq3A_4 : i1 to i32
    %cond3A_6 = arith.constant 0 : i32
    %cond3A_7 = arith.cmpi ne, %convert_element_type3A_5, %cond3A_6 : i32
    scf.if %cond3A_7 {
      %scan3A = arith.constant 0 : i32
      %scan3A_8 = arith.constant 80 : i32
      %scan3A_9 = arith.addi %scan3A, %scan3A_8 : i32
      %scan3A_10 = arith.constant 1 : i32
      scf.for %scan3A_15 = %scan3A to %scan3A_9 step %scan3A_10  : i32 {
        %mul3A_16 = arith.constant 1 : i32
        %mul3A_17 = arith.muli %scan3A_15, %mul3A_16 : i32
        %add3A = arith.constant 0 : i32
        %add3A_18 = arith.addi %add3A, %mul3A_17 : i32
        %dma_start3A = arith.constant 0 : i32
        %dma_start3A_19 = tpu.memref_slice %arg9[%add3A_18, %dma_start3A] : memref<80x125xi32, #tpu.memory_space<vmem>> -> memref<1x125xi32, #tpu.memory_space<vmem>>
        %dma_start3A_20 = tpu.memref_squeeze %dma_start3A_19 : memref<1x125xi32, #tpu.memory_space<vmem>> -> memref<125xi32, #tpu.memory_space<vmem>>
        %dma_start3A_21 = arith.constant 0 : i32
        %dma_start3A_22 = arith.constant 0 : i32
        %dma_start3A_23 = tpu.memref_slice %arg3[%dma_start3A_21, %dma_start3A_22] : memref<10000x128xf32, #tpu.memory_space<hbm>> -> memref<10000x128xf32, #tpu.memory_space<hbm>>
        tpu.enqueue_indirect_dma source(%dma_start3A_23 : memref<10000x128xf32, #tpu.memory_space<hbm>>) target(%arg11 : memref<125x128xf32, #tpu.memory_space<vmem>>) offsets(%dma_start3A_20 : memref<125xi32, #tpu.memory_space<vmem>>) semaphore(%arg13 : memref<!tpu.dma_semaphore, #tpu.memory_space<semaphore_mem>>)
        %dma_wait3A = arith.constant 0 : i32
        %dma_wait3A_24 = tpu.memref_slice %arg9[%add3A_18, %dma_wait3A] : memref<80x125xi32, #tpu.memory_space<vmem>> -> memref<1x125xi32, #tpu.memory_space<vmem>>
        %dma_wait3A_25 = tpu.memref_squeeze %dma_wait3A_24 : memref<1x125xi32, #tpu.memory_space<vmem>> -> memref<125xi32, #tpu.memory_space<vmem>>
        %dma_wait3A_26 = arith.constant 0 : i32
        %dma_wait3A_27 = arith.constant 0 : i32
        %dma_wait3A_28 = tpu.memref_slice %arg3[%dma_wait3A_26, %dma_wait3A_27] : memref<10000x128xf32, #tpu.memory_space<hbm>> -> memref<10000x128xf32, #tpu.memory_space<hbm>>
        tpu.wait_indirect_dma semaphore(%arg13 : memref<!tpu.dma_semaphore, #tpu.memory_space<semaphore_mem>>) src(%dma_wait3A_28 : memref<10000x128xf32, #tpu.memory_space<hbm>>) dst(%arg11 : memref<125x128xf32, #tpu.memory_space<vmem>>)
        "tpu.region"() ({
          %run_scoped3A = tpu.sem_alloc : memref<!tpu.dma_semaphore, #tpu.memory_space<semaphore_mem>>
          %dma_start3A_29 = arith.constant 0 : i32
          %dma_start3A_30 = tpu.memref_slice %arg10[%add3A_18, %dma_start3A_29] : memref<80x125xi32, #tpu.memory_space<vmem>> -> memref<1x125xi32, #tpu.memory_space<vmem>>
          %dma_start3A_31 = tpu.memref_squeeze %dma_start3A_30 : memref<1x125xi32, #tpu.memory_space<vmem>> -> memref<125xi32, #tpu.memory_space<vmem>>
          %dma_start3A_32 = arith.constant 0 : i32
          %dma_start3A_33 = arith.constant 0 : i32
          %dma_start3A_34 = tpu.memref_slice %arg12[%dma_start3A_32, %dma_start3A_33] : memref<10112x128xf32, #tpu.memory_space<vmem_shared>> -> memref<10112x128xf32, #tpu.memory_space<vmem_shared>>
          tpu.enqueue_indirect_dma source(%arg11 : memref<125x128xf32, #tpu.memory_space<vmem>>) target(%dma_start3A_34 : memref<10112x128xf32, #tpu.memory_space<vmem_shared>>) offsets(%dma_start3A_31 : memref<125xi32, #tpu.memory_space<vmem>>) semaphore(%run_scoped3A : memref<!tpu.dma_semaphore, #tpu.memory_space<semaphore_mem>>) {add = true}
          %dma_wait3A_35 = arith.constant 0 : i32
          %dma_wait3A_36 = tpu.memref_slice %arg10[%add3A_18, %dma_wait3A_35] : memref<80x125xi32, #tpu.memory_space<vmem>> -> memref<1x125xi32, #tpu.memory_space<vmem>>
          %dma_wait3A_37 = tpu.memref_squeeze %dma_wait3A_36 : memref<1x125xi32, #tpu.memory_space<vmem>> -> memref<125xi32, #tpu.memory_space<vmem>>
          %dma_wait3A_38 = arith.constant 0 : i32
          %dma_wait3A_39 = arith.constant 0 : i32
          %dma_wait3A_40 = tpu.memref_slice %arg12[%dma_wait3A_38, %dma_wait3A_39] : memref<10112x128xf32, #tpu.memory_space<vmem_shared>> -> memref<10112x128xf32, #tpu.memory_space<vmem_shared>>
          tpu.wait_indirect_dma semaphore(%run_scoped3A : memref<!tpu.dma_semaphore, #tpu.memory_space<semaphore_mem>>) src(%arg11 : memref<125x128xf32, #tpu.memory_space<vmem>>) dst(%dma_wait3A_40 : memref<10112x128xf32, #tpu.memory_space<vmem_shared>>)
          tpu.yield
        }) : () -> ()
      }
      %scan3A_11 = arith.constant 80 : i32
      %barrier3A_12 = arith.constant 0 : index
      tpu.barrier barrier_id(%barrier3A_12)
      %mul3A_13 = arith.constant 632 : i32
      %mul3A_14 = arith.muli %arg1, %mul3A_13 : i32
      "tpu.region"() ({
        %run_scoped3A = tpu.sem_alloc : memref<!tpu.dma_semaphore, #tpu.memory_space<semaphore_mem>>
        %dma_start3A = arith.constant 0 : i32
        %dma_start3A_15 = tpu.memref_slice %arg8[%mul3A_14, %dma_start3A] : memref<10112x128xf32, #tpu.memory_space<hbm>> -> memref<632x128xf32, #tpu.memory_space<hbm>>
        %dma_start3A_16 = arith.constant 0 : i32
        %dma_start3A_17 = tpu.memref_slice %arg12[%mul3A_14, %dma_start3A_16] : memref<10112x128xf32, #tpu.memory_space<vmem_shared>> -> memref<632x128xf32, #tpu.memory_space<vmem_shared>>
        tpu.enqueue_dma source(%dma_start3A_17 : memref<632x128xf32, #tpu.memory_space<vmem_shared>>) target(%dma_start3A_15 : memref<632x128xf32, #tpu.memory_space<hbm>>) target_semaphore(%run_scoped3A : memref<!tpu.dma_semaphore, #tpu.memory_space<semaphore_mem>>)
        %dma_wait3A = arith.constant 0 : i32
        %dma_wait3A_18 = tpu.memref_slice %arg8[%mul3A_14, %dma_wait3A] : memref<10112x128xf32, #tpu.memory_space<hbm>> -> memref<632x128xf32, #tpu.memory_space<hbm>>
        %dma_wait3A_19 = arith.constant 0 : i32
        %dma_wait3A_20 = tpu.memref_slice %arg12[%mul3A_14, %dma_wait3A_19] : memref<10112x128xf32, #tpu.memory_space<vmem_shared>> -> memref<632x128xf32, #tpu.memory_space<vmem_shared>>
        tpu.wait_dma2 semaphore(%run_scoped3A : memref<!tpu.dma_semaphore, #tpu.memory_space<semaphore_mem>>) src(%dma_wait3A_20 : memref<632x128xf32, #tpu.memory_space<vmem_shared>>) dst(%dma_wait3A_18 : memref<632x128xf32, #tpu.memory_space<hbm>>)
        tpu.yield
      }) : () -> ()
    } else {
    }
    return
  }
}

module attributes {stable_mosaic.version = 14 : i64} {
  func.func @_mlp_stats_body(%arg0: i32, %arg1: memref<5000x128xf32, #tpu.memory_space<vmem>>, %arg2: memref<5000x128xf32, #tpu.memory_space<vmem>>, %arg3: memref<5000x128xf32, #tpu.memory_space<vmem>>, %arg4: memref<5000x128xf32, #tpu.memory_space<vmem>>, %arg5: memref<256x256xf32, #tpu.memory_space<vmem>>, %arg6: memref<1x256xf32, #tpu.memory_space<vmem>>, %arg7: memref<256x256xf32, #tpu.memory_space<vmem>>, %arg8: memref<1x256xf32, #tpu.memory_space<vmem>>, %arg9: memref<5000x256xf32, #tpu.memory_space<vmem>>, %arg10: memref<1x256xf32, #tpu.memory_space<vmem>>, %arg11: memref<1x256xf32, #tpu.memory_space<vmem>>) attributes {dimension_semantics = [#tpu.dimension_semantics<arbitrary>], iteration_bounds = array<i64: 2>, scalar_prefetch = 0 : i64, scratch_operands = 0 : i64, tpu.core_type = #tpu.core_type<tc>, window_params = [{transform_indices = @transform_0, window_bounds = array<i64: 5000, 128>}, {transform_indices = @transform_1, window_bounds = array<i64: 5000, 128>}, {transform_indices = @transform_2, window_bounds = array<i64: 5000, 128>}, {transform_indices = @transform_3, window_bounds = array<i64: 5000, 128>}, {pipeline_mode = #tpu.pipeline_mode<synchronous>, transform_indices = @transform_4, window_bounds = array<i64: 256, 256>}, {pipeline_mode = #tpu.pipeline_mode<synchronous>, transform_indices = @transform_5, window_bounds = array<i64: 1, 256>}, {pipeline_mode = #tpu.pipeline_mode<synchronous>, transform_indices = @transform_6, window_bounds = array<i64: 256, 256>}, {pipeline_mode = #tpu.pipeline_mode<synchronous>, transform_indices = @transform_7, window_bounds = array<i64: 1, 256>}, {transform_indices = @transform_8, window_bounds = array<i64: 5000, 256>}, {pipeline_mode = #tpu.pipeline_mode<synchronous>, transform_indices = @transform_9, window_bounds = array<i64: 1, 256>}, {pipeline_mode = #tpu.pipeline_mode<synchronous>, transform_indices = @transform_10, window_bounds = array<i64: 1, 256>}]} {
    %get3A = arith.constant 0 : index
    %get3A_0 = arith.constant 0 : index
    %get3A_1 = vector.load %arg1[%get3A, %get3A_0] : memref<5000x128xf32, #tpu.memory_space<vmem>>, vector<5000x128xf32>
    %get3A_2 = arith.constant 0 : index
    %get3A_3 = arith.constant 0 : index
    %get3A_4 = vector.load %arg3[%get3A_2, %get3A_3] : memref<5000x128xf32, #tpu.memory_space<vmem>>, vector<5000x128xf32>
    %add3A = arith.addf %get3A_1, %get3A_4 : vector<5000x128xf32>
    %get3A_5 = arith.constant 0 : index
    %get3A_6 = arith.constant 0 : index
    %get3A_7 = vector.load %arg2[%get3A_5, %get3A_6] : memref<5000x128xf32, #tpu.memory_space<vmem>>, vector<5000x128xf32>
    %get3A_8 = arith.constant 0 : index
    %get3A_9 = arith.constant 0 : index
    %get3A_10 = vector.load %arg4[%get3A_8, %get3A_9] : memref<5000x128xf32, #tpu.memory_space<vmem>>, vector<5000x128xf32>
    %add3A_11 = arith.addf %get3A_7, %get3A_10 : vector<5000x128xf32>
    %concatenate3A = tpu.concatenate %add3A, %add3A_11 in 1 : vector<5000x128xf32>, vector<5000x128xf32> -> vector<5000x256xf32>
    %get3A_12 = arith.constant 0 : index
    %get3A_13 = arith.constant 0 : index
    %get3A_14 = vector.load %arg5[%get3A_12, %get3A_13] : memref<256x256xf32, #tpu.memory_space<vmem>>, vector<256x256xf32>
    %dot_general3A = arith.constant dense<0.000000e+00> : vector<5000x256xf32>
    %dot_general3A_15 = tpu.matmul %concatenate3A, %get3A_14, %dot_general3A {dimension_numbers = #tpu.dot_dimension_numbers<[1], [0], [0], [1], [0, 0, 1, 1], [], []>, transpose_lhs_hint = false} : vector<5000x256xf32>, vector<256x256xf32>, vector<5000x256xf32> -> vector<5000x256xf32>
    %get3A_16 = arith.constant 0 : index
    %get3A_17 = arith.constant 0 : index
    %get3A_18 = vector.load %arg6[%get3A_16, %get3A_17] : memref<1x256xf32, #tpu.memory_space<vmem>>, vector<1x256xf32>
    %add3A_19 = vector.broadcast %get3A_18 : vector<1x256xf32> to vector<5000x256xf32>
    %add3A_20 = arith.addf %dot_general3A_15, %add3A_19 : vector<5000x256xf32>
    %max3A = arith.constant 0.000000e+00 : f32
    %max3A_21 = vector.broadcast %max3A : f32 to vector<5000x256xf32>
    %max3A_22 = arith.maximumf %add3A_20, %max3A_21 : vector<5000x256xf32>
    %get3A_23 = arith.constant 0 : index
    %get3A_24 = arith.constant 0 : index
    %get3A_25 = vector.load %arg7[%get3A_23, %get3A_24] : memref<256x256xf32, #tpu.memory_space<vmem>>, vector<256x256xf32>
    %dot_general3A_26 = arith.constant dense<0.000000e+00> : vector<5000x256xf32>
    %dot_general3A_27 = tpu.matmul %max3A_22, %get3A_25, %dot_general3A_26 {dimension_numbers = #tpu.dot_dimension_numbers<[1], [0], [0], [1], [0, 0, 1, 1], [], []>, transpose_lhs_hint = false} : vector<5000x256xf32>, vector<256x256xf32>, vector<5000x256xf32> -> vector<5000x256xf32>
    %get3A_28 = arith.constant 0 : index
    %get3A_29 = arith.constant 0 : index
    %get3A_30 = vector.load %arg8[%get3A_28, %get3A_29] : memref<1x256xf32, #tpu.memory_space<vmem>>, vector<1x256xf32>
    %add3A_31 = vector.broadcast %get3A_30 : vector<1x256xf32> to vector<5000x256xf32>
    %add3A_32 = arith.addf %dot_general3A_27, %add3A_31 : vector<5000x256xf32>
    %max3A_33 = arith.constant 0.000000e+00 : f32
    %max3A_34 = vector.broadcast %max3A_33 : f32 to vector<5000x256xf32>
    %max3A_35 = arith.maximumf %add3A_32, %max3A_34 : vector<5000x256xf32>
    %swap3A = arith.constant 0 : index
    %swap3A_36 = arith.constant 0 : index
    %swap3A_37 = vector.load %arg9[%swap3A, %swap3A_36] : memref<5000x256xf32, #tpu.memory_space<vmem>>, vector<5000x256xf32>
    tpu.vector_store %arg9[%swap3A, %swap3A_36], %max3A_35 {strides = array<i32>} : memref<5000x256xf32, #tpu.memory_space<vmem>>, vector<5000x256xf32>,
    %reduce_sum3A = arith.constant dense<0.000000e+00> : vector<256xf32>
    %reduce_sum3A_38 = vector.multi_reduction <add>, %max3A_35, %reduce_sum3A [0] : vector<5000x256xf32> to vector<256xf32>
    %broadcast_in_dim3A = vector.shape_cast %reduce_sum3A_38 : vector<256xf32> to vector<1x256xf32>
    %mul3A = arith.mulf %max3A_35, %max3A_35 : vector<5000x256xf32>
    %reduce_sum3A_39 = arith.constant dense<0.000000e+00> : vector<256xf32>
    %reduce_sum3A_40 = vector.multi_reduction <add>, %mul3A, %reduce_sum3A_39 [0] : vector<5000x256xf32> to vector<256xf32>
    %broadcast_in_dim3A_41 = vector.shape_cast %reduce_sum3A_40 : vector<256xf32> to vector<1x256xf32>
    %eq3A = arith.constant 0 : i32
    %eq3A_42 = arith.cmpi eq, %arg0, %eq3A : i32
    %convert_element_type3A = arith.extui %eq3A_42 : i1 to i32
    %cond3A = arith.constant 0 : i32
    %cond3A_43 = arith.cmpi ne, %convert_element_type3A, %cond3A : i32
    scf.if %cond3A_43 {
      %swap3A_48 = arith.constant 0 : index
      %swap3A_49 = arith.constant 0 : index
      %swap3A_50 = vector.load %arg10[%swap3A_48, %swap3A_49] : memref<1x256xf32, #tpu.memory_space<vmem>>, vector<1x256xf32>
      tpu.vector_store %arg10[%swap3A_48, %swap3A_49], %broadcast_in_dim3A {strides = array<i32>} : memref<1x256xf32, #tpu.memory_space<vmem>>, vector<1x256xf32>,
      %swap3A_51 = arith.constant 0 : index
      %swap3A_52 = arith.constant 0 : index
      %swap3A_53 = vector.load %arg11[%swap3A_51, %swap3A_52] : memref<1x256xf32, #tpu.memory_space<vmem>>, vector<1x256xf32>
      tpu.vector_store %arg11[%swap3A_51, %swap3A_52], %broadcast_in_dim3A_41 {strides = array<i32>} : memref<1x256xf32, #tpu.memory_space<vmem>>, vector<1x256xf32>,
    } else {
    }
    %gt3A = arith.constant 0 : i32
    %gt3A_44 = arith.cmpi sgt, %arg0, %gt3A : i32
    %convert_element_type3A_45 = arith.extui %gt3A_44 : i1 to i32
    %cond3A_46 = arith.constant 0 : i32
    %cond3A_47 = arith.cmpi ne, %convert_element_type3A_45, %cond3A_46 : i32
    scf.if %cond3A_47 {
      %get3A_48 = arith.constant 0 : index
      %get3A_49 = arith.constant 0 : index
      %get3A_50 = vector.load %arg10[%get3A_48, %get3A_49] : memref<1x256xf32, #tpu.memory_space<vmem>>, vector<1x256xf32>
      %add3A_51 = arith.addf %get3A_50, %broadcast_in_dim3A : vector<1x256xf32>
      %swap3A_52 = arith.constant 0 : index
      %swap3A_53 = arith.constant 0 : index
      %swap3A_54 = vector.load %arg10[%swap3A_52, %swap3A_53] : memref<1x256xf32, #tpu.memory_space<vmem>>, vector<1x256xf32>
      tpu.vector_store %arg10[%swap3A_52, %swap3A_53], %add3A_51 {strides = array<i32>} : memref<1x256xf32, #tpu.memory_space<vmem>>, vector<1x256xf32>,
      %get3A_55 = arith.constant 0 : index
      %get3A_56 = arith.constant 0 : index
      %get3A_57 = vector.load %arg11[%get3A_55, %get3A_56] : memref<1x256xf32, #tpu.memory_space<vmem>>, vector<1x256xf32>
      %add3A_58 = arith.addf %get3A_57, %broadcast_in_dim3A_41 : vector<1x256xf32>
      %swap3A_59 = arith.constant 0 : index
      %swap3A_60 = arith.constant 0 : index
      %swap3A_61 = vector.load %arg11[%swap3A_59, %swap3A_60] : memref<1x256xf32, #tpu.memory_space<vmem>>, vector<1x256xf32>
      tpu.vector_store %arg11[%swap3A_59, %swap3A_60], %add3A_58 {strides = array<i32>} : memref<1x256xf32, #tpu.memory_space<vmem>>, vector<1x256xf32>,
    } else {
    }
    return
  }
  func.func @transform_0(%arg0: i32) -> (i32, i32) {
    %c0_i32 = arith.constant 0 : i32
    %c0_i32_0 = arith.constant 0 : i32
    return %arg0, %c0_i32 : i32, i32
  }
  func.func @transform_1(%arg0: i32) -> (i32, i32) {
    %c0_i32 = arith.constant 0 : i32
    %c0_i32_0 = arith.constant 0 : i32
    return %arg0, %c0_i32 : i32, i32
  }
  func.func @transform_2(%arg0: i32) -> (i32, i32) {
    %c0_i32 = arith.constant 0 : i32
    %c0_i32_0 = arith.constant 0 : i32
    return %arg0, %c0_i32 : i32, i32
  }
  func.func @transform_3(%arg0: i32) -> (i32, i32) {
    %c0_i32 = arith.constant 0 : i32
    %c0_i32_0 = arith.constant 0 : i32
    return %arg0, %c0_i32 : i32, i32
  }
  func.func @transform_4(%arg0: i32) -> (i32, i32) {
    %c0_i32 = arith.constant 0 : i32
    %c0_i32_0 = arith.constant 0 : i32
    %c0_i32_1 = arith.constant 0 : i32
    return %c0_i32, %c0_i32_0 : i32, i32
  }
  func.func @transform_5(%arg0: i32) -> (i32, i32) {
    %c0_i32 = arith.constant 0 : i32
    %c0_i32_0 = arith.constant 0 : i32
    %c0_i32_1 = arith.constant 0 : i32
    return %c0_i32, %c0_i32_0 : i32, i32
  }
  func.func @transform_6(%arg0: i32) -> (i32, i32) {
    %c0_i32 = arith.constant 0 : i32
    %c0_i32_0 = arith.constant 0 : i32
    %c0_i32_1 = arith.constant 0 : i32
    return %c0_i32, %c0_i32_0 : i32, i32
  }
  func.func @transform_7(%arg0: i32) -> (i32, i32) {
    %c0_i32 = arith.constant 0 : i32
    %c0_i32_0 = arith.constant 0 : i32
    %c0_i32_1 = arith.constant 0 : i32
    return %c0_i32, %c0_i32_0 : i32, i32
  }
  func.func @transform_8(%arg0: i32) -> (i32, i32) {
    %c0_i32 = arith.constant 0 : i32
    %c0_i32_0 = arith.constant 0 : i32
    return %arg0, %c0_i32 : i32, i32
  }
  func.func @transform_9(%arg0: i32) -> (i32, i32) {
    %c0_i32 = arith.constant 0 : i32
    %c0_i32_0 = arith.constant 0 : i32
    %c0_i32_1 = arith.constant 0 : i32
    return %c0_i32, %c0_i32_0 : i32, i32
  }
  func.func @transform_10(%arg0: i32) -> (i32, i32) {
    %c0_i32 = arith.constant 0 : i32
    %c0_i32_0 = arith.constant 0 : i32
    %c0_i32_1 = arith.constant 0 : i32
    return %c0_i32, %c0_i32_0 : i32, i32
  }
}

module attributes {stable_mosaic.version = 14 : i64} {
  func.func @_norm_pool_body(%arg0: i32, %arg1: memref<5000x256xf32, #tpu.memory_space<vmem>>, %arg2: memref<1x256xf32, #tpu.memory_space<vmem>>, %arg3: memref<1x256xf32, #tpu.memory_space<vmem>>, %arg4: memref<1x256xf32, #tpu.memory_space<vmem>>, %arg5: memref<1x256xf32, #tpu.memory_space<vmem>>, %arg6: memref<1x1x5000xi32, #tpu.memory_space<vmem>>, %arg7: memref<5000x128xf32, #tpu.memory_space<vmem>>, %arg8: memref<5000x128xf32, #tpu.memory_space<vmem>>, %arg9: memref<64x256xf32, #tpu.memory_space<vmem>>, %arg10: memref<5000x256xf32, #tpu.memory_space<vmem>>) attributes {dimension_semantics = [#tpu.dimension_semantics<arbitrary>], iteration_bounds = array<i64: 2>, scalar_prefetch = 0 : i64, scratch_operands = 0 : i64, tpu.core_type = #tpu.core_type<tc>, window_params = [{transform_indices = @transform_0, window_bounds = array<i64: 5000, 256>}, {pipeline_mode = #tpu.pipeline_mode<synchronous>, transform_indices = @transform_1, window_bounds = array<i64: 1, 256>}, {pipeline_mode = #tpu.pipeline_mode<synchronous>, transform_indices = @transform_2, window_bounds = array<i64: 1, 256>}, {pipeline_mode = #tpu.pipeline_mode<synchronous>, transform_indices = @transform_3, window_bounds = array<i64: 1, 256>}, {pipeline_mode = #tpu.pipeline_mode<synchronous>, transform_indices = @transform_4, window_bounds = array<i64: 1, 256>}, {transform_indices = @transform_5, window_bounds = array<i64: 1, 1, 5000>}, {transform_indices = @transform_6, window_bounds = array<i64: 5000, 128>}, {transform_indices = @transform_7, window_bounds = array<i64: 5000, 128>}, {pipeline_mode = #tpu.pipeline_mode<synchronous>, transform_indices = @transform_8, window_bounds = array<i64: 64, 256>}, {transform_indices = @transform_9, window_bounds = array<i64: 5000, 256>}]} {
    %get3A = arith.constant 0 : index
    %get3A_0 = arith.constant 0 : index
    %get3A_1 = vector.load %arg2[%get3A, %get3A_0] : memref<1x256xf32, #tpu.memory_space<vmem>>, vector<1x256xf32>
    %mul3A = arith.constant 9.99999974E-5 : f32
    %mul3A_2 = vector.broadcast %mul3A : f32 to vector<1x256xf32>
    %mul3A_3 = arith.mulf %get3A_1, %mul3A_2 : vector<1x256xf32>
    %get3A_4 = arith.constant 0 : index
    %get3A_5 = arith.constant 0 : index
    %get3A_6 = vector.load %arg3[%get3A_4, %get3A_5] : memref<1x256xf32, #tpu.memory_space<vmem>>, vector<1x256xf32>
    %mul3A_7 = arith.constant 9.99999974E-5 : f32
    %mul3A_8 = vector.broadcast %mul3A_7 : f32 to vector<1x256xf32>
    %mul3A_9 = arith.mulf %get3A_6, %mul3A_8 : vector<1x256xf32>
    %mul3A_10 = arith.mulf %mul3A_3, %mul3A_3 : vector<1x256xf32>
    %sub3A = arith.subf %mul3A_9, %mul3A_10 : vector<1x256xf32>
    %get3A_11 = arith.constant 0 : index
    %get3A_12 = arith.constant 0 : index
    %get3A_13 = vector.load %arg4[%get3A_11, %get3A_12] : memref<1x256xf32, #tpu.memory_space<vmem>>, vector<1x256xf32>
    %add3A = arith.constant 9.99999974E-6 : f32
    %add3A_14 = vector.broadcast %add3A : f32 to vector<1x256xf32>
    %add3A_15 = arith.addf %sub3A, %add3A_14 : vector<1x256xf32>
    %rsqrt3A = math.rsqrt %add3A_15 : vector<1x256xf32>
    %mul3A_16 = arith.mulf %get3A_13, %rsqrt3A : vector<1x256xf32>
    %get3A_17 = arith.constant 0 : index
    %get3A_18 = arith.constant 0 : index
    %get3A_19 = vector.load %arg5[%get3A_17, %get3A_18] : memref<1x256xf32, #tpu.memory_space<vmem>>, vector<1x256xf32>
    %mul3A_20 = arith.mulf %mul3A_3, %mul3A_16 : vector<1x256xf32>
    %sub3A_21 = arith.subf %get3A_19, %mul3A_20 : vector<1x256xf32>
    %get3A_22 = arith.constant 0 : index
    %get3A_23 = arith.constant 0 : index
    %get3A_24 = vector.load %arg1[%get3A_22, %get3A_23] : memref<5000x256xf32, #tpu.memory_space<vmem>>, vector<5000x256xf32>
    %mul3A_25 = vector.broadcast %mul3A_16 : vector<1x256xf32> to vector<5000x256xf32>
    %mul3A_26 = arith.mulf %get3A_24, %mul3A_25 : vector<5000x256xf32>
    %add3A_27 = vector.broadcast %sub3A_21 : vector<1x256xf32> to vector<5000x256xf32>
    %add3A_28 = arith.addf %mul3A_26, %add3A_27 : vector<5000x256xf32>
    %slice3A = vector.extract_strided_slice %add3A_28 {offsets = [0, 0], sizes = [5000, 128], strides = [1, 1]} : vector<5000x256xf32> to vector<5000x128xf32>
    %swap3A = arith.constant 0 : index
    %swap3A_29 = arith.constant 0 : index
    %swap3A_30 = vector.load %arg7[%swap3A, %swap3A_29] : memref<5000x128xf32, #tpu.memory_space<vmem>>, vector<5000x128xf32>
    tpu.vector_store %arg7[%swap3A, %swap3A_29], %slice3A {strides = array<i32>} : memref<5000x128xf32, #tpu.memory_space<vmem>>, vector<5000x128xf32>,
    %slice3A_31 = vector.extract_strided_slice %add3A_28 {offsets = [0, 128], sizes = [5000, 128], strides = [1, 1]} : vector<5000x256xf32> to vector<5000x128xf32>
    %swap3A_32 = arith.constant 0 : index
    %swap3A_33 = arith.constant 0 : index
    %swap3A_34 = vector.load %arg8[%swap3A_32, %swap3A_33] : memref<5000x128xf32, #tpu.memory_space<vmem>>, vector<5000x128xf32>
    tpu.vector_store %arg8[%swap3A_32, %swap3A_33], %slice3A_31 {strides = array<i32>} : memref<5000x128xf32, #tpu.memory_space<vmem>>, vector<5000x128xf32>,
    %swap3A_35 = arith.constant 0 : index
    %swap3A_36 = arith.constant 0 : index
    %swap3A_37 = vector.load %arg10[%swap3A_35, %swap3A_36] : memref<5000x256xf32, #tpu.memory_space<vmem>>, vector<5000x256xf32>
    tpu.vector_store %arg10[%swap3A_35, %swap3A_36], %add3A_28 {strides = array<i32>} : memref<5000x256xf32, #tpu.memory_space<vmem>>, vector<5000x256xf32>,
    %get3A_38 = arith.constant 0 : index
    %get3A_39 = arith.constant 0 : index
    %get3A_40 = arith.constant 0 : index
    %get3A_41 = vector.load %arg6[%get3A_38, %get3A_39, %get3A_40] : memref<1x1x5000xi32, #tpu.memory_space<vmem>>, vector<1x1x5000xi32>
    %get3A_42 = vector.shape_cast %get3A_41 : vector<1x1x5000xi32> to vector<5000xi32>
    %broadcast_in_dim3A = vector.shape_cast %get3A_42 : vector<5000xi32> to vector<1x5000xi32>
    %iota3A = tpu.iota {dimensions = array<i32: 0>} : vector<64x5000xi32>
    %eq3A = vector.broadcast %broadcast_in_dim3A : vector<1x5000xi32> to vector<64x5000xi32>
    %eq3A_43 = arith.cmpi eq, %eq3A, %iota3A : vector<64x5000xi32>
    %convert_element_type3A = arith.extui %eq3A_43 : vector<64x5000xi1> to vector<64x5000xi32>
    %convert_element_type3A_44 = arith.sitofp %convert_element_type3A : vector<64x5000xi32> to vector<64x5000xf32>
    %dot_general3A = arith.constant dense<0.000000e+00> : vector<64x256xf32>
    %dot_general3A_45 = tpu.matmul %convert_element_type3A_44, %add3A_28, %dot_general3A {dimension_numbers = #tpu.dot_dimension_numbers<[1], [0], [0], [1], [0, 0, 1, 1], [], []>, transpose_lhs_hint = false} : vector<64x5000xf32>, vector<5000x256xf32>, vector<64x256xf32> -> vector<64x256xf32>
    %eq3A_46 = arith.constant 0 : i32
    %eq3A_47 = arith.cmpi eq, %arg0, %eq3A_46 : i32
    %convert_element_type3A_48 = arith.extui %eq3A_47 : i1 to i32
    %cond3A = arith.constant 0 : i32
    %cond3A_49 = arith.cmpi ne, %convert_element_type3A_48, %cond3A : i32
    scf.if %cond3A_49 {
      %swap3A_54 = arith.constant 0 : index
      %swap3A_55 = arith.constant 0 : index
      %swap3A_56 = vector.load %arg9[%swap3A_54, %swap3A_55] : memref<64x256xf32, #tpu.memory_space<vmem>>, vector<64x256xf32>
      tpu.vector_store %arg9[%swap3A_54, %swap3A_55], %dot_general3A_45 {strides = array<i32>} : memref<64x256xf32, #tpu.memory_space<vmem>>, vector<64x256xf32>,
    } else {
    }
    %gt3A = arith.constant 0 : i32
    %gt3A_50 = arith.cmpi sgt, %arg0, %gt3A : i32
    %convert_element_type3A_51 = arith.extui %gt3A_50 : i1 to i32
    %cond3A_52 = arith.constant 0 : i32
    %cond3A_53 = arith.cmpi ne, %convert_element_type3A_51, %cond3A_52 : i32
    scf.if %cond3A_53 {
      %get3A_54 = arith.constant 0 : index
      %get3A_55 = arith.constant 0 : index
      %get3A_56 = vector.load %arg9[%get3A_54, %get3A_55] : memref<64x256xf32, #tpu.memory_space<vmem>>, vector<64x256xf32>
      %add3A_57 = arith.addf %get3A_56, %dot_general3A_45 : vector<64x256xf32>
      %swap3A_58 = arith.constant 0 : index
      %swap3A_59 = arith.constant 0 : index
      %swap3A_60 = vector.load %arg9[%swap3A_58, %swap3A_59] : memref<64x256xf32, #tpu.memory_space<vmem>>, vector<64x256xf32>
      tpu.vector_store %arg9[%swap3A_58, %swap3A_59], %add3A_57 {strides = array<i32>} : memref<64x256xf32, #tpu.memory_space<vmem>>, vector<64x256xf32>,
    } else {
    }
    return
  }
  func.func @transform_0(%arg0: i32) -> (i32, i32) {
    %c0_i32 = arith.constant 0 : i32
    %c0_i32_0 = arith.constant 0 : i32
    return %arg0, %c0_i32 : i32, i32
  }
  func.func @transform_1(%arg0: i32) -> (i32, i32) {
    %c0_i32 = arith.constant 0 : i32
    %c0_i32_0 = arith.constant 0 : i32
    %c0_i32_1 = arith.constant 0 : i32
    return %c0_i32, %c0_i32_0 : i32, i32
  }
  func.func @transform_2(%arg0: i32) -> (i32, i32) {
    %c0_i32 = arith.constant 0 : i32
    %c0_i32_0 = arith.constant 0 : i32
    %c0_i32_1 = arith.constant 0 : i32
    return %c0_i32, %c0_i32_0 : i32, i32
  }
  func.func @transform_3(%arg0: i32) -> (i32, i32) {
    %c0_i32 = arith.constant 0 : i32
    %c0_i32_0 = arith.constant 0 : i32
    %c0_i32_1 = arith.constant 0 : i32
    return %c0_i32, %c0_i32_0 : i32, i32
  }
  func.func @transform_4(%arg0: i32) -> (i32, i32) {
    %c0_i32 = arith.constant 0 : i32
    %c0_i32_0 = arith.constant 0 : i32
    %c0_i32_1 = arith.constant 0 : i32
    return %c0_i32, %c0_i32_0 : i32, i32
  }
  func.func @transform_5(%arg0: i32) -> (i32, i32, i32) {
    %c0_i32 = arith.constant 0 : i32
    %c0_i32_0 = arith.constant 0 : i32
    %c0_i32_1 = arith.constant 0 : i32
    return %arg0, %c0_i32, %c0_i32_0 : i32, i32, i32
  }
  func.func @transform_6(%arg0: i32) -> (i32, i32) {
    %c0_i32 = arith.constant 0 : i32
    %c0_i32_0 = arith.constant 0 : i32
    return %arg0, %c0_i32 : i32, i32
  }
  func.func @transform_7(%arg0: i32) -> (i32, i32) {
    %c0_i32 = arith.constant 0 : i32
    %c0_i32_0 = arith.constant 0 : i32
    return %arg0, %c0_i32 : i32, i32
  }
  func.func @transform_8(%arg0: i32) -> (i32, i32) {
    %c0_i32 = arith.constant 0 : i32
    %c0_i32_0 = arith.constant 0 : i32
    %c0_i32_1 = arith.constant 0 : i32
    return %c0_i32, %c0_i32_0 : i32, i32
  }
  func.func @transform_9(%arg0: i32) -> (i32, i32) {
    %c0_i32 = arith.constant 0 : i32
    %c0_i32_0 = arith.constant 0 : i32
    return %arg0, %c0_i32 : i32, i32
  }
}

module attributes {stable_mosaic.version = 14 : i64} {
  func.func @_norm_pool_body(%arg0: i32, %arg1: memref<5000x256xf32, #tpu.memory_space<vmem>>, %arg2: memref<1x256xf32, #tpu.memory_space<vmem>>, %arg3: memref<1x256xf32, #tpu.memory_space<vmem>>, %arg4: memref<1x256xf32, #tpu.memory_space<vmem>>, %arg5: memref<1x256xf32, #tpu.memory_space<vmem>>, %arg6: memref<1x1x5000xi32, #tpu.memory_space<vmem>>, %arg7: memref<10000x768xf32, #tpu.memory_space<any>>, %arg8: memref<5000x128xf32, #tpu.memory_space<vmem>>, %arg9: memref<5000x128xf32, #tpu.memory_space<vmem>>, %arg10: memref<64x256xf32, #tpu.memory_space<vmem>>, %arg11: memref<5000x256xf32, #tpu.memory_space<vmem>>) attributes {dimension_semantics = [#tpu.dimension_semantics<arbitrary>], iteration_bounds = array<i64: 2>, scalar_prefetch = 0 : i64, scratch_operands = 0 : i64, tpu.core_type = #tpu.core_type<tc>, window_params = [{transform_indices = @transform_0, window_bounds = array<i64: 5000, 256>}, {pipeline_mode = #tpu.pipeline_mode<synchronous>, transform_indices = @transform_1, window_bounds = array<i64: 1, 256>}, {pipeline_mode = #tpu.pipeline_mode<synchronous>, transform_indices = @transform_2, window_bounds = array<i64: 1, 256>}, {pipeline_mode = #tpu.pipeline_mode<synchronous>, transform_indices = @transform_3, window_bounds = array<i64: 1, 256>}, {pipeline_mode = #tpu.pipeline_mode<synchronous>, transform_indices = @transform_4, window_bounds = array<i64: 1, 256>}, {transform_indices = @transform_5, window_bounds = array<i64: 1, 1, 5000>}, {}, {transform_indices = @transform_7, window_bounds = array<i64: 5000, 128>}, {transform_indices = @transform_8, window_bounds = array<i64: 5000, 128>}, {pipeline_mode = #tpu.pipeline_mode<synchronous>, transform_indices = @transform_9, window_bounds = array<i64: 64, 256>}, {transform_indices = @transform_10, window_bounds = array<i64: 5000, 256>}]} {
    %get3A = arith.constant 0 : index
    %get3A_0 = arith.constant 0 : index
    %get3A_1 = vector.load %arg2[%get3A, %get3A_0] : memref<1x256xf32, #tpu.memory_space<vmem>>, vector<1x256xf32>
    %mul3A = arith.constant 9.99999974E-5 : f32
    %mul3A_2 = vector.broadcast %mul3A : f32 to vector<1x256xf32>
    %mul3A_3 = arith.mulf %get3A_1, %mul3A_2 : vector<1x256xf32>
    %get3A_4 = arith.constant 0 : index
    %get3A_5 = arith.constant 0 : index
    %get3A_6 = vector.load %arg3[%get3A_4, %get3A_5] : memref<1x256xf32, #tpu.memory_space<vmem>>, vector<1x256xf32>
    %mul3A_7 = arith.constant 9.99999974E-5 : f32
    %mul3A_8 = vector.broadcast %mul3A_7 : f32 to vector<1x256xf32>
    %mul3A_9 = arith.mulf %get3A_6, %mul3A_8 : vector<1x256xf32>
    %mul3A_10 = arith.mulf %mul3A_3, %mul3A_3 : vector<1x256xf32>
    %sub3A = arith.subf %mul3A_9, %mul3A_10 : vector<1x256xf32>
    %get3A_11 = arith.constant 0 : index
    %get3A_12 = arith.constant 0 : index
    %get3A_13 = vector.load %arg4[%get3A_11, %get3A_12] : memref<1x256xf32, #tpu.memory_space<vmem>>, vector<1x256xf32>
    %add3A = arith.constant 9.99999974E-6 : f32
    %add3A_14 = vector.broadcast %add3A : f32 to vector<1x256xf32>
    %add3A_15 = arith.addf %sub3A, %add3A_14 : vector<1x256xf32>
    %rsqrt3A = math.rsqrt %add3A_15 : vector<1x256xf32>
    %mul3A_16 = arith.mulf %get3A_13, %rsqrt3A : vector<1x256xf32>
    %get3A_17 = arith.constant 0 : index
    %get3A_18 = arith.constant 0 : index
    %get3A_19 = vector.load %arg5[%get3A_17, %get3A_18] : memref<1x256xf32, #tpu.memory_space<vmem>>, vector<1x256xf32>
    %mul3A_20 = arith.mulf %mul3A_3, %mul3A_16 : vector<1x256xf32>
    %sub3A_21 = arith.subf %get3A_19, %mul3A_20 : vector<1x256xf32>
    %get3A_22 = arith.constant 0 : index
    %get3A_23 = arith.constant 0 : index
    %get3A_24 = vector.load %arg1[%get3A_22, %get3A_23] : memref<5000x256xf32, #tpu.memory_space<vmem>>, vector<5000x256xf32>
    %mul3A_25 = vector.broadcast %mul3A_16 : vector<1x256xf32> to vector<5000x256xf32>
    %mul3A_26 = arith.mulf %get3A_24, %mul3A_25 : vector<5000x256xf32>
    %add3A_27 = vector.broadcast %sub3A_21 : vector<1x256xf32> to vector<5000x256xf32>
    %add3A_28 = arith.addf %mul3A_26, %add3A_27 : vector<5000x256xf32>
    %slice3A = vector.extract_strided_slice %add3A_28 {offsets = [0, 0], sizes = [5000, 128], strides = [1, 1]} : vector<5000x256xf32> to vector<5000x128xf32>
    %swap3A = arith.constant 0 : index
    %swap3A_29 = arith.constant 0 : index
    %swap3A_30 = vector.load %arg8[%swap3A, %swap3A_29] : memref<5000x128xf32, #tpu.memory_space<vmem>>, vector<5000x128xf32>
    tpu.vector_store %arg8[%swap3A, %swap3A_29], %slice3A {strides = array<i32>} : memref<5000x128xf32, #tpu.memory_space<vmem>>, vector<5000x128xf32>,
    %slice3A_31 = vector.extract_strided_slice %add3A_28 {offsets = [0, 128], sizes = [5000, 128], strides = [1, 1]} : vector<5000x256xf32> to vector<5000x128xf32>
    %swap3A_32 = arith.constant 0 : index
    %swap3A_33 = arith.constant 0 : index
    %swap3A_34 = vector.load %arg9[%swap3A_32, %swap3A_33] : memref<5000x128xf32, #tpu.memory_space<vmem>>, vector<5000x128xf32>
    tpu.vector_store %arg9[%swap3A_32, %swap3A_33], %slice3A_31 {strides = array<i32>} : memref<5000x128xf32, #tpu.memory_space<vmem>>, vector<5000x128xf32>,
    %swap3A_35 = arith.constant 0 : index
    %swap3A_36 = arith.constant 0 : index
    %swap3A_37 = vector.load %arg11[%swap3A_35, %swap3A_36] : memref<5000x256xf32, #tpu.memory_space<vmem>>, vector<5000x256xf32>
    tpu.vector_store %arg11[%swap3A_35, %swap3A_36], %add3A_28 {strides = array<i32>} : memref<5000x256xf32, #tpu.memory_space<vmem>>, vector<5000x256xf32>,
    %get3A_38 = arith.constant 0 : index
    %get3A_39 = arith.constant 0 : index
    %get3A_40 = arith.constant 0 : index
    %get3A_41 = vector.load %arg6[%get3A_38, %get3A_39, %get3A_40] : memref<1x1x5000xi32, #tpu.memory_space<vmem>>, vector<1x1x5000xi32>
    %get3A_42 = vector.shape_cast %get3A_41 : vector<1x1x5000xi32> to vector<5000xi32>
    %broadcast_in_dim3A = vector.shape_cast %get3A_42 : vector<5000xi32> to vector<1x5000xi32>
    %iota3A = tpu.iota {dimensions = array<i32: 0>} : vector<64x5000xi32>
    %eq3A = vector.broadcast %broadcast_in_dim3A : vector<1x5000xi32> to vector<64x5000xi32>
    %eq3A_43 = arith.cmpi eq, %eq3A, %iota3A : vector<64x5000xi32>
    %convert_element_type3A = arith.extui %eq3A_43 : vector<64x5000xi1> to vector<64x5000xi32>
    %convert_element_type3A_44 = arith.sitofp %convert_element_type3A : vector<64x5000xi32> to vector<64x5000xf32>
    %dot_general3A = arith.constant dense<0.000000e+00> : vector<64x256xf32>
    %dot_general3A_45 = tpu.matmul %convert_element_type3A_44, %add3A_28, %dot_general3A {dimension_numbers = #tpu.dot_dimension_numbers<[1], [0], [0], [1], [0, 0, 1, 1], [], []>, transpose_lhs_hint = false} : vector<64x5000xf32>, vector<5000x256xf32>, vector<64x256xf32> -> vector<64x256xf32>
    %eq3A_46 = arith.constant 0 : i32
    %eq3A_47 = arith.cmpi eq, %arg0, %eq3A_46 : i32
    %convert_element_type3A_48 = arith.extui %eq3A_47 : i1 to i32
    %cond3A = arith.constant 0 : i32
    %cond3A_49 = arith.cmpi ne, %convert_element_type3A_48, %cond3A : i32
    scf.if %cond3A_49 {
      %swap3A_54 = arith.constant 0 : index
      %swap3A_55 = arith.constant 0 : index
      %swap3A_56 = vector.load %arg10[%swap3A_54, %swap3A_55] : memref<64x256xf32, #tpu.memory_space<vmem>>, vector<64x256xf32>
      tpu.vector_store %arg10[%swap3A_54, %swap3A_55], %dot_general3A_45 {strides = array<i32>} : memref<64x256xf32, #tpu.memory_space<vmem>>, vector<64x256xf32>,
    } else {
    }
    %gt3A = arith.constant 0 : i32
    %gt3A_50 = arith.cmpi sgt, %arg0, %gt3A : i32
    %convert_element_type3A_51 = arith.extui %gt3A_50 : i1 to i32
    %cond3A_52 = arith.constant 0 : i32
    %cond3A_53 = arith.cmpi ne, %convert_element_type3A_51, %cond3A_52 : i32
    scf.if %cond3A_53 {
      %get3A_54 = arith.constant 0 : index
      %get3A_55 = arith.constant 0 : index
      %get3A_56 = vector.load %arg10[%get3A_54, %get3A_55] : memref<64x256xf32, #tpu.memory_space<vmem>>, vector<64x256xf32>
      %add3A_57 = arith.addf %get3A_56, %dot_general3A_45 : vector<64x256xf32>
      %swap3A_58 = arith.constant 0 : index
      %swap3A_59 = arith.constant 0 : index
      %swap3A_60 = vector.load %arg10[%swap3A_58, %swap3A_59] : memref<64x256xf32, #tpu.memory_space<vmem>>, vector<64x256xf32>
      tpu.vector_store %arg10[%swap3A_58, %swap3A_59], %add3A_57 {strides = array<i32>} : memref<64x256xf32, #tpu.memory_space<vmem>>, vector<64x256xf32>,
    } else {
    }
    return
  }
  func.func @transform_0(%arg0: i32) -> (i32, i32) {
    %c0_i32 = arith.constant 0 : i32
    %c0_i32_0 = arith.constant 0 : i32
    return %arg0, %c0_i32 : i32, i32
  }
  func.func @transform_1(%arg0: i32) -> (i32, i32) {
    %c0_i32 = arith.constant 0 : i32
    %c0_i32_0 = arith.constant 0 : i32
    %c0_i32_1 = arith.constant 0 : i32
    return %c0_i32, %c0_i32_0 : i32, i32
  }
  func.func @transform_2(%arg0: i32) -> (i32, i32) {
    %c0_i32 = arith.constant 0 : i32
    %c0_i32_0 = arith.constant 0 : i32
    %c0_i32_1 = arith.constant 0 : i32
    return %c0_i32, %c0_i32_0 : i32, i32
  }
  func.func @transform_3(%arg0: i32) -> (i32, i32) {
    %c0_i32 = arith.constant 0 : i32
    %c0_i32_0 = arith.constant 0 : i32
    %c0_i32_1 = arith.constant 0 : i32
    return %c0_i32, %c0_i32_0 : i32, i32
  }
  func.func @transform_4(%arg0: i32) -> (i32, i32) {
    %c0_i32 = arith.constant 0 : i32
    %c0_i32_0 = arith.constant 0 : i32
    %c0_i32_1 = arith.constant 0 : i32
    return %c0_i32, %c0_i32_0 : i32, i32
  }
  func.func @transform_5(%arg0: i32) -> (i32, i32, i32) {
    %c0_i32 = arith.constant 0 : i32
    %c0_i32_0 = arith.constant 0 : i32
    %c0_i32_1 = arith.constant 0 : i32
    return %arg0, %c0_i32, %c0_i32_0 : i32, i32, i32
  }
  func.func @transform_7(%arg0: i32) -> (i32, i32) {
    %c0_i32 = arith.constant 0 : i32
    %c0_i32_0 = arith.constant 0 : i32
    return %arg0, %c0_i32 : i32, i32
  }
  func.func @transform_8(%arg0: i32) -> (i32, i32) {
    %c0_i32 = arith.constant 0 : i32
    %c0_i32_0 = arith.constant 0 : i32
    return %arg0, %c0_i32 : i32, i32
  }
  func.func @transform_9(%arg0: i32) -> (i32, i32) {
    %c0_i32 = arith.constant 0 : i32
    %c0_i32_0 = arith.constant 0 : i32
    %c0_i32_1 = arith.constant 0 : i32
    return %c0_i32, %c0_i32_0 : i32, i32
  }
  func.func @transform_10(%arg0: i32) -> (i32, i32) {
    %c1_i32 = arith.constant 1 : i32
    %c0_i32 = arith.constant 0 : i32
    return %arg0, %c1_i32 : i32, i32
  }
}

module attributes {stable_mosaic.version = 14 : i64} {
  func.func @_norm_pool_body(%arg0: i32, %arg1: memref<5000x256xf32, #tpu.memory_space<vmem>>, %arg2: memref<1x256xf32, #tpu.memory_space<vmem>>, %arg3: memref<1x256xf32, #tpu.memory_space<vmem>>, %arg4: memref<1x256xf32, #tpu.memory_space<vmem>>, %arg5: memref<1x256xf32, #tpu.memory_space<vmem>>, %arg6: memref<1x1x5000xi32, #tpu.memory_space<vmem>>, %arg7: memref<10000x768xf32, #tpu.memory_space<any>>, %arg8: memref<5000x128xf32, #tpu.memory_space<vmem>>, %arg9: memref<5000x128xf32, #tpu.memory_space<vmem>>, %arg10: memref<64x256xf32, #tpu.memory_space<vmem>>, %arg11: memref<5000x256xf32, #tpu.memory_space<vmem>>) attributes {dimension_semantics = [#tpu.dimension_semantics<arbitrary>], iteration_bounds = array<i64: 2>, scalar_prefetch = 0 : i64, scratch_operands = 0 : i64, tpu.core_type = #tpu.core_type<tc>, window_params = [{transform_indices = @transform_0, window_bounds = array<i64: 5000, 256>}, {pipeline_mode = #tpu.pipeline_mode<synchronous>, transform_indices = @transform_1, window_bounds = array<i64: 1, 256>}, {pipeline_mode = #tpu.pipeline_mode<synchronous>, transform_indices = @transform_2, window_bounds = array<i64: 1, 256>}, {pipeline_mode = #tpu.pipeline_mode<synchronous>, transform_indices = @transform_3, window_bounds = array<i64: 1, 256>}, {pipeline_mode = #tpu.pipeline_mode<synchronous>, transform_indices = @transform_4, window_bounds = array<i64: 1, 256>}, {transform_indices = @transform_5, window_bounds = array<i64: 1, 1, 5000>}, {}, {transform_indices = @transform_7, window_bounds = array<i64: 5000, 128>}, {transform_indices = @transform_8, window_bounds = array<i64: 5000, 128>}, {pipeline_mode = #tpu.pipeline_mode<synchronous>, transform_indices = @transform_9, window_bounds = array<i64: 64, 256>}, {transform_indices = @transform_10, window_bounds = array<i64: 5000, 256>}]} {
    %get3A = arith.constant 0 : index
    %get3A_0 = arith.constant 0 : index
    %get3A_1 = vector.load %arg2[%get3A, %get3A_0] : memref<1x256xf32, #tpu.memory_space<vmem>>, vector<1x256xf32>
    %mul3A = arith.constant 9.99999974E-5 : f32
    %mul3A_2 = vector.broadcast %mul3A : f32 to vector<1x256xf32>
    %mul3A_3 = arith.mulf %get3A_1, %mul3A_2 : vector<1x256xf32>
    %get3A_4 = arith.constant 0 : index
    %get3A_5 = arith.constant 0 : index
    %get3A_6 = vector.load %arg3[%get3A_4, %get3A_5] : memref<1x256xf32, #tpu.memory_space<vmem>>, vector<1x256xf32>
    %mul3A_7 = arith.constant 9.99999974E-5 : f32
    %mul3A_8 = vector.broadcast %mul3A_7 : f32 to vector<1x256xf32>
    %mul3A_9 = arith.mulf %get3A_6, %mul3A_8 : vector<1x256xf32>
    %mul3A_10 = arith.mulf %mul3A_3, %mul3A_3 : vector<1x256xf32>
    %sub3A = arith.subf %mul3A_9, %mul3A_10 : vector<1x256xf32>
    %get3A_11 = arith.constant 0 : index
    %get3A_12 = arith.constant 0 : index
    %get3A_13 = vector.load %arg4[%get3A_11, %get3A_12] : memref<1x256xf32, #tpu.memory_space<vmem>>, vector<1x256xf32>
    %add3A = arith.constant 9.99999974E-6 : f32
    %add3A_14 = vector.broadcast %add3A : f32 to vector<1x256xf32>
    %add3A_15 = arith.addf %sub3A, %add3A_14 : vector<1x256xf32>
    %rsqrt3A = math.rsqrt %add3A_15 : vector<1x256xf32>
    %mul3A_16 = arith.mulf %get3A_13, %rsqrt3A : vector<1x256xf32>
    %get3A_17 = arith.constant 0 : index
    %get3A_18 = arith.constant 0 : index
    %get3A_19 = vector.load %arg5[%get3A_17, %get3A_18] : memref<1x256xf32, #tpu.memory_space<vmem>>, vector<1x256xf32>
    %mul3A_20 = arith.mulf %mul3A_3, %mul3A_16 : vector<1x256xf32>
    %sub3A_21 = arith.subf %get3A_19, %mul3A_20 : vector<1x256xf32>
    %get3A_22 = arith.constant 0 : index
    %get3A_23 = arith.constant 0 : index
    %get3A_24 = vector.load %arg1[%get3A_22, %get3A_23] : memref<5000x256xf32, #tpu.memory_space<vmem>>, vector<5000x256xf32>
    %mul3A_25 = vector.broadcast %mul3A_16 : vector<1x256xf32> to vector<5000x256xf32>
    %mul3A_26 = arith.mulf %get3A_24, %mul3A_25 : vector<5000x256xf32>
    %add3A_27 = vector.broadcast %sub3A_21 : vector<1x256xf32> to vector<5000x256xf32>
    %add3A_28 = arith.addf %mul3A_26, %add3A_27 : vector<5000x256xf32>
    %slice3A = vector.extract_strided_slice %add3A_28 {offsets = [0, 0], sizes = [5000, 128], strides = [1, 1]} : vector<5000x256xf32> to vector<5000x128xf32>
    %swap3A = arith.constant 0 : index
    %swap3A_29 = arith.constant 0 : index
    %swap3A_30 = vector.load %arg8[%swap3A, %swap3A_29] : memref<5000x128xf32, #tpu.memory_space<vmem>>, vector<5000x128xf32>
    tpu.vector_store %arg8[%swap3A, %swap3A_29], %slice3A {strides = array<i32>} : memref<5000x128xf32, #tpu.memory_space<vmem>>, vector<5000x128xf32>,
    %slice3A_31 = vector.extract_strided_slice %add3A_28 {offsets = [0, 128], sizes = [5000, 128], strides = [1, 1]} : vector<5000x256xf32> to vector<5000x128xf32>
    %swap3A_32 = arith.constant 0 : index
    %swap3A_33 = arith.constant 0 : index
    %swap3A_34 = vector.load %arg9[%swap3A_32, %swap3A_33] : memref<5000x128xf32, #tpu.memory_space<vmem>>, vector<5000x128xf32>
    tpu.vector_store %arg9[%swap3A_32, %swap3A_33], %slice3A_31 {strides = array<i32>} : memref<5000x128xf32, #tpu.memory_space<vmem>>, vector<5000x128xf32>,
    %swap3A_35 = arith.constant 0 : index
    %swap3A_36 = arith.constant 0 : index
    %swap3A_37 = vector.load %arg11[%swap3A_35, %swap3A_36] : memref<5000x256xf32, #tpu.memory_space<vmem>>, vector<5000x256xf32>
    tpu.vector_store %arg11[%swap3A_35, %swap3A_36], %add3A_28 {strides = array<i32>} : memref<5000x256xf32, #tpu.memory_space<vmem>>, vector<5000x256xf32>,
    %get3A_38 = arith.constant 0 : index
    %get3A_39 = arith.constant 0 : index
    %get3A_40 = arith.constant 0 : index
    %get3A_41 = vector.load %arg6[%get3A_38, %get3A_39, %get3A_40] : memref<1x1x5000xi32, #tpu.memory_space<vmem>>, vector<1x1x5000xi32>
    %get3A_42 = vector.shape_cast %get3A_41 : vector<1x1x5000xi32> to vector<5000xi32>
    %broadcast_in_dim3A = vector.shape_cast %get3A_42 : vector<5000xi32> to vector<1x5000xi32>
    %iota3A = tpu.iota {dimensions = array<i32: 0>} : vector<64x5000xi32>
    %eq3A = vector.broadcast %broadcast_in_dim3A : vector<1x5000xi32> to vector<64x5000xi32>
    %eq3A_43 = arith.cmpi eq, %eq3A, %iota3A : vector<64x5000xi32>
    %convert_element_type3A = arith.extui %eq3A_43 : vector<64x5000xi1> to vector<64x5000xi32>
    %convert_element_type3A_44 = arith.sitofp %convert_element_type3A : vector<64x5000xi32> to vector<64x5000xf32>
    %dot_general3A = arith.constant dense<0.000000e+00> : vector<64x256xf32>
    %dot_general3A_45 = tpu.matmul %convert_element_type3A_44, %add3A_28, %dot_general3A {dimension_numbers = #tpu.dot_dimension_numbers<[1], [0], [0], [1], [0, 0, 1, 1], [], []>, transpose_lhs_hint = false} : vector<64x5000xf32>, vector<5000x256xf32>, vector<64x256xf32> -> vector<64x256xf32>
    %eq3A_46 = arith.constant 0 : i32
    %eq3A_47 = arith.cmpi eq, %arg0, %eq3A_46 : i32
    %convert_element_type3A_48 = arith.extui %eq3A_47 : i1 to i32
    %cond3A = arith.constant 0 : i32
    %cond3A_49 = arith.cmpi ne, %convert_element_type3A_48, %cond3A : i32
    scf.if %cond3A_49 {
      %swap3A_54 = arith.constant 0 : index
      %swap3A_55 = arith.constant 0 : index
      %swap3A_56 = vector.load %arg10[%swap3A_54, %swap3A_55] : memref<64x256xf32, #tpu.memory_space<vmem>>, vector<64x256xf32>
      tpu.vector_store %arg10[%swap3A_54, %swap3A_55], %dot_general3A_45 {strides = array<i32>} : memref<64x256xf32, #tpu.memory_space<vmem>>, vector<64x256xf32>,
    } else {
    }
    %gt3A = arith.constant 0 : i32
    %gt3A_50 = arith.cmpi sgt, %arg0, %gt3A : i32
    %convert_element_type3A_51 = arith.extui %gt3A_50 : i1 to i32
    %cond3A_52 = arith.constant 0 : i32
    %cond3A_53 = arith.cmpi ne, %convert_element_type3A_51, %cond3A_52 : i32
    scf.if %cond3A_53 {
      %get3A_54 = arith.constant 0 : index
      %get3A_55 = arith.constant 0 : index
      %get3A_56 = vector.load %arg10[%get3A_54, %get3A_55] : memref<64x256xf32, #tpu.memory_space<vmem>>, vector<64x256xf32>
      %add3A_57 = arith.addf %get3A_56, %dot_general3A_45 : vector<64x256xf32>
      %swap3A_58 = arith.constant 0 : index
      %swap3A_59 = arith.constant 0 : index
      %swap3A_60 = vector.load %arg10[%swap3A_58, %swap3A_59] : memref<64x256xf32, #tpu.memory_space<vmem>>, vector<64x256xf32>
      tpu.vector_store %arg10[%swap3A_58, %swap3A_59], %add3A_57 {strides = array<i32>} : memref<64x256xf32, #tpu.memory_space<vmem>>, vector<64x256xf32>,
    } else {
    }
    return
  }
  func.func @transform_0(%arg0: i32) -> (i32, i32) {
    %c0_i32 = arith.constant 0 : i32
    %c0_i32_0 = arith.constant 0 : i32
    return %arg0, %c0_i32 : i32, i32
  }
  func.func @transform_1(%arg0: i32) -> (i32, i32) {
    %c0_i32 = arith.constant 0 : i32
    %c0_i32_0 = arith.constant 0 : i32
    %c0_i32_1 = arith.constant 0 : i32
    return %c0_i32, %c0_i32_0 : i32, i32
  }
  func.func @transform_2(%arg0: i32) -> (i32, i32) {
    %c0_i32 = arith.constant 0 : i32
    %c0_i32_0 = arith.constant 0 : i32
    %c0_i32_1 = arith.constant 0 : i32
    return %c0_i32, %c0_i32_0 : i32, i32
  }
  func.func @transform_3(%arg0: i32) -> (i32, i32) {
    %c0_i32 = arith.constant 0 : i32
    %c0_i32_0 = arith.constant 0 : i32
    %c0_i32_1 = arith.constant 0 : i32
    return %c0_i32, %c0_i32_0 : i32, i32
  }
  func.func @transform_4(%arg0: i32) -> (i32, i32) {
    %c0_i32 = arith.constant 0 : i32
    %c0_i32_0 = arith.constant 0 : i32
    %c0_i32_1 = arith.constant 0 : i32
    return %c0_i32, %c0_i32_0 : i32, i32
  }
  func.func @transform_5(%arg0: i32) -> (i32, i32, i32) {
    %c0_i32 = arith.constant 0 : i32
    %c0_i32_0 = arith.constant 0 : i32
    %c0_i32_1 = arith.constant 0 : i32
    return %arg0, %c0_i32, %c0_i32_0 : i32, i32, i32
  }
  func.func @transform_7(%arg0: i32) -> (i32, i32) {
    %c0_i32 = arith.constant 0 : i32
    %c0_i32_0 = arith.constant 0 : i32
    return %arg0, %c0_i32 : i32, i32
  }
  func.func @transform_8(%arg0: i32) -> (i32, i32) {
    %c0_i32 = arith.constant 0 : i32
    %c0_i32_0 = arith.constant 0 : i32
    return %arg0, %c0_i32 : i32, i32
  }
  func.func @transform_9(%arg0: i32) -> (i32, i32) {
    %c0_i32 = arith.constant 0 : i32
    %c0_i32_0 = arith.constant 0 : i32
    %c0_i32_1 = arith.constant 0 : i32
    return %c0_i32, %c0_i32_0 : i32, i32
  }
  func.func @transform_10(%arg0: i32) -> (i32, i32) {
    %c2_i32 = arith.constant 2 : i32
    %c0_i32 = arith.constant 0 : i32
    return %arg0, %c2_i32 : i32, i32
  }
}

</mosaic_0001>

<sc_bundles>
// kernel: kernel.11.cloned.1.call-start
scs
__scs_entry_jumppad:
0x0: {  	(pc) =	sbr.rel $0x88, $3  }
0x1: {  	(tag) =	ssettag $0x0;
	lr =	simm.s32 $0x1  }
0x2: {  	[smem:$0x3F8C] =	sst lr;
	_ =	strace $0xD0000000  }
0x3: {  	_ = 	snop  }
0x4: {  	_ = 	snop  }
0x5: {  	_ = 	snop  }
0x6: {  	_ = 	snop  }
0x7: {  	_ = 	snop  }
__scs_overlays_trampoline_lowered:
0x8: {  	[smem:$0x3F9B] =	sst s0  }
0x9: {  	[smem:$0x3F9C] =	sst s1  }
0xa: {  	[smem:$0x3F9D] =	sst s2  }
0xb: {  	[smem:$0x3F9E] =	sst s3  }
0xc: {  	[smem:$0x3F9F] =	sst s4  }
0xd: {  	[smem:$0x3FA0] =	sst s5  }
0xe: {  	[smem:$0x3FA1] =	sst s6  }
0xf: {  	[smem:$0x3FA2] =	sst s7  }
0x10: {  	[smem:$0x3FA3] =	sst s8  }
0x11: {  	[smem:$0x3FA4] =	sst s9;
	s0 =	simm.s32 @!p0 $0x0  }
0x12: {  	s1 =	sld [smem:$0x3F8A];
	s0 =	simm.s32 @p0 $0x1  }
0x13: {  	[smem:$0x3FA5] =	sst s0;
	s0 =	simm.s32 @!p1 $0x0  }
0x14: {  	s2 =	sld [smem:$0x3F89];
	s0 =	simm.s32 @p1 $0x1  }
0x15: {  	[smem:$0x3FA6] =	sst s0;
	s0 =	simm.s32 @!p2 $0x0  }
0x16: {  	s3 =	sld [smem:$0x3FDB];
	s0 =	simm.s32 @p2 $0x1  }
0x17: {  	s4 =	simm.s32 $0x1BF5;
	[smem:$0x3FA8] =	sst s0  }
0x18: {  	s0 =	sld [smem:$0x3F8B];
	_ =	swait.ge [sflag:s4], $0x0  }
0x19: {  	s7 =	sld [smem:$0x3F8C]  }
0x1a: {  	s8 =	sadd.s32 $0xFFFFE003, lr  }
0x1b: {  	s9 =	sadd.s32 $0xFFFFFEF7, lr;
	s5 =	simm.s32 $0xFFFFFFFF;
	p2 =	slt.u32 s8, $0xFFFFF086  }
0x1c: {  	p1 =	slt.u32 s9, $0xF7A;
	s5 =	simm.s32 @!p2 $0x0  }
0x1d: {  	s5 =	simm.s32 @p1 $0x1;
	p0 =	seq.s32 s7, s2  }
0x1e: {  	s7 =	smul.u32 @!p0 $0xF7A, s2;
	p2 =	seq.s32 @!p0 s5, $0x0  }
0x1f: {  	s9 =	smul.u32 $0xF7A, s1;
	s8 =	simm.s32 @!p0 $0x1BF5;
	p2 =	por !p2, p0  }
0x20: {  	[sflag:s8] =	ssyncset.s32 @!p0 $0xFFFFF086;
	s6 =	sadd.s32 @!p0 s3, s7;
	s7 =	simm.s32 @!p0 $0x108  }
0x21: {  	s3 =	sadd.s32 s3, s9;
	s6 =	sadd.s32 @!p0 $0x88, s6;
	s7 =	simm.s32 @p2 $0x1082  }
0x22: {  	[simem:s7], [sflag:s8] =	dma.local @!p0 [hbm:s6], $0xF7A  }
0x23: {  	s9 =	sor.u32 $0xD0000000, s2;
	s6 =	simm.s32 $0x108;
	_ =	swait.ge @!p0 [sflag:s8], $0x0  }
0x24: {  	s3 =	sadd.s32 $0x88, s3;
	s6 =	simm.s32 @!p1 $0x1082;
	[sflag:s4] =	ssyncset.s32 $0xFFFFF086  }
0x25: {  	[simem:s6], [sflag:s4] =	dma.local [hbm:s3], $0xF7A  }
0x26: {  	[smem:$0x3F8C] =	sst s1;
	(tag) =	ssettag s2;
	_ =	strace s9  }
0x27: {  	s1 =	sld [smem:$0x3F9C]  }
0x28: {  	s2 =	sld [smem:$0x3F9D]  }
0x29: {  	s4 =	sld [smem:$0x3F9F]  }
0x2a: {  	p0 =	seq.s32 s5, $0x0;
	s5 =	sld [smem:$0x3FA0]  }
0x2b: {  	s6 =	sld [smem:$0x3FA1]  }
0x2c: {  	s7 =	sld [smem:$0x3FA2]  }
0x2d: {  	s3 =	simm.s32 $0x108;
	s8 =	sld [smem:$0x3FA3]  }
0x2e: {  	s3 =	simm.s32 @!p0 $0x1082;
	s9 =	sld [smem:$0x3FA4]  }
0x2f: {  	lr =	sadd.s32 s0, s3;
	s0 =	sld [smem:$0x3F9B]  }
0x30: {  	s3 =	sld [smem:$0x3F9E]  }
0x31: {  	[smem:$0x3FA7] =	sst s10  }
0x32: {  	s10 =	sld [smem:$0x3FA5];
	_ =	sdelay $0x3  }
0x33: {  	p0 =	seq.s32 s10, $0x1;
	s10 =	sld [smem:$0x3FA7];
	_ =	sdelay $0x3  }
0x34: {  	[smem:$0x3FA7] =	sst s10  }
0x35: {  	s10 =	sld [smem:$0x3FA6];
	_ =	sdelay $0x3  }
0x36: {  	p1 =	seq.s32 s10, $0x1;
	s10 =	sld [smem:$0x3FA7];
	_ =	sdelay $0x3  }
0x37: {  	[smem:$0x3FA7] =	sst s10  }
0x38: {  	s10 =	sld [smem:$0x3FA8]  }
0x39: {  	_ = 	snop;
	(pc) =	sbr.ind lr, $3  }
0x3a: {  	_ = 	snop  }
0x3b: {  	_ = 	snop  }
0x3c: {  	p2 =	seq.s32 s10, $0x1;
	s10 =	sld [smem:$0x3FA7]  }
0x3d: {  	_ =	shalt  }
0x3e: {  	_ =	shalt  }
0x3f: {  	_ =	shalt  }
0x40: {  	_ =	shalt  }
0x41: {  	_ =	shalt  }
0x42: {  	_ =	shalt  }
0x43: {  	_ =	shalt  }
0x44: {  	_ =	shalt  }
0x45: {  	_ =	shalt  }
0x46: {  	_ =	shalt  }
0x47: {  	_ =	shalt  }
0x48: {  	_ =	shalt  }
0x49: {  	_ =	shalt  }
0x4a: {  	_ =	shalt  }
0x4b: {  	_ =	shalt  }
0x4c: {  	_ =	shalt  }
0x4d: {  	_ =	shalt  }
0x4e: {  	_ =	shalt  }
0x4f: {  	_ =	shalt  }
0x50: {  	_ =	shalt  }
0x51: {  	_ =	shalt  }
0x52: {  	_ =	shalt  }
0x53: {  	_ =	shalt  }
0x54: {  	_ =	shalt  }
0x55: {  	_ =	shalt  }
0x56: {  	_ =	shalt  }
0x57: {  	_ =	shalt  }
0x58: {  	_ =	shalt  }
0x59: {  	_ =	shalt  }
0x5a: {  	_ =	shalt  }
0x5b: {  	_ =	shalt  }
0x5c: {  	_ =	shalt  }
0x5d: {  	_ =	shalt  }
0x5e: {  	_ =	shalt  }
0x5f: {  	_ =	shalt  }
0x60: {  	_ =	shalt  }
0x61: {  	_ =	shalt  }
0x62: {  	_ =	shalt  }
0x63: {  	_ =	shalt  }
0x64: {  	_ =	shalt  }
0x65: {  	_ =	shalt  }
0x66: {  	_ =	shalt  }
0x67: {  	_ =	shalt  }
0x68: {  	_ =	shalt  }
0x69: {  	_ =	shalt  }
0x6a: {  	_ =	shalt  }
0x6b: {  	_ =	shalt  }
0x6c: {  	_ =	shalt  }
0x6d: {  	_ =	shalt  }
0x6e: {  	_ =	shalt  }
0x6f: {  	_ =	shalt  }
0x70: {  	_ =	shalt  }
0x71: {  	_ =	shalt  }
0x72: {  	_ =	shalt  }
0x73: {  	_ =	shalt  }
0x74: {  	_ =	shalt  }
0x75: {  	_ =	shalt  }
0x76: {  	_ =	shalt  }
0x77: {  	_ =	shalt  }
0x78: {  	_ =	shalt  }
0x79: {  	_ =	shalt  }
0x7a: {  	_ =	shalt  }
0x7b: {  	_ =	shalt  }
0x7c: {  	_ =	shalt  }
0x7d: {  	_ =	shalt  }
0x7e: {  	_ =	shalt  }
0x7f: {  	_ =	shalt  }
0x80: {  	_ =	shalt  }
0x81: {  	_ =	shalt  }
0x82: {  	_ =	shalt  }
0x83: {  	_ =	shalt  }
0x84: {  	_ =	shalt  }
0x85: {  	_ =	shalt  }
0x86: {  	_ =	shalt  }
0x87: {  	_ =	shalt  }
.Lfunc_end0:
.L_simem_size_0:
called_computation_lowered:
.L_overlay_start_0:
0x88: {  	s2 =	sld [smem:$0x3FD9]  }
0x89: {  	s3 =	sld [smem:$0x3FFE];
	_ =	sdelay $0x1  }
0x8a: {  	s1 =	srdreg.scid  }
0x8b: {  	s0 =	sand.u32 $0x1, s1  }
0x8c: {  	s14 =	sshll.u32 s0, $0xA;
	s2 =	sadd.s32 s3, s2  }
0x8d: {  	s2 =	sadd.s32 s2, s14  }
0x8e: {  	[smem:$0x3FB3] =	sst s2  }
0x8f: {  	_ = 	snop  }
0x90: {  	s2 =	sld [smem:$0x3FD0];
	_ =	sdelay $0x2  }
0x91: {  	s15 =	simm.s32 $0xA;
	s4 =	simm.s32 $0x10  }
0x92: {  	[smem:s4], [sflag:s15] =	dma.local [hbm:s2], $0x1  }
0x93: {  	_ =	swait.eq [sflag:s15], $0x1  }
0x94: {  	[sflag:s15] =	ssyncset.done $0x0  }
0x95: {  	[sflag:s15] =	ssyncadd.s32 $0xFFFFFFFF  }
0x96: {  	s16 =	sld [smem:$0x11];
	(tm) =	ssettm $0x1  }
0x97: {  	s17 =	sld [smem:$0x3FFB];
	_ =	sdelay $0x3  }
0x98: {  	_ =	strace s17  }
0x99: {  	s3 =	sld [smem:$0x3FFC];
	_ =	sdelay $0x3  }
0x9a: {  	_ =	strace s3  }
0x9b: {  	s3 =	sld [smem:$0x3FFD];
	_ =	sdelay $0x3  }
0x9c: {  	_ =	strace s3  }
0x9d: {  	_ =	strace $0x8FFFFFFF  }
0x9e: {  	s18 =	sld [smem:$0x3FDB];
	_ =	sdelay $0x1  }
0x9f: {  	s19 =	simm.s32 $_scs_section_size  }
0xa0: {  	s5 =	simm.s32 $_size__tile_overlayer_lowered;
	s6 =	simm.s32 $_tile_overlayer_lowered  }
0xa1: {  	s22 =	simm.s32 $0x1BFF;
	s21 =	sshll.u32 s6, $0x1;
	s3 =	sadd.s32 s19, s18  }
0xa2: {  	s7 =	simm.s32 $0x0;
	s20 =	sshll.u32 s5, $0x1;
	s5 =	sadd.s32 s21, s3  }
0xa3: {  	[timem:s7], [sflag:s22] =	dma.local [hbm:s5], s20  }
0xa4: {  	_ =	swait.ge [sflag:s22], s20  }
0xa5: {  	s4 =	ssub.s32 $0x0, s20;
	[sflag:s22] =	ssyncset.done $0x0  }
0xa6: {  	[sflag:s22] =	ssyncadd.s32 s4;
	_ =	sdelay $0x1  }
0xa7: {  	s23 =	simm.s32 $0x1B8B  }
0xa8: {  	_ =	swait.ge [sflag:s23], $0x1  }
0xa9: {  	[sflag:s23] =	ssyncset.done $0x0  }
0xaa: {  	s25 =	simm.s32 $0x1B8E;
	s24 =	sld [smem:$0x3FFE];
	[sflag:s23] =	ssyncadd.s32 $0xFFFFFFFF  }
0xab: {  	s26 =	simm.s32 $execute0_lowered;
	[smem:$0x3FD2] =	sst s25  }
0xac: {  	s5 =	sshll.u32 s26, $0x1;
	_ =	strace $0x80000046;
	[dreg:$0x1] =	wrdreg $0xFFFFFFFF  }
0xad: {  	s28 =	simm.s32 $_size_execute0_lowered;
	s3 =	sadd.s32 s3, s5;
	[dreg:$0x0] =	wrdreg $0x0  }
0xae: {  	s5 =	sshll.u32 s28, $0x1;
	[dreg:$0x2] =	wrdreg s3  }
0xaf: {  	[dreg:$0x3] =	wrdreg s5  }
0xb0: {  	[dreg:$0x4] =	wrdreg $0xC0  }
0xb1: {  	_ =	task [dreg:s7], $0x5FFFF  }
0xb2: {  	[dreg:$0x1] =	wrdreg $0xFFFFFFFF  }
0xb3: {  	[dreg:$0x0] =	wrdreg $0x60  }
0xb4: {  	[dreg:$0x2] =	wrdreg s24  }
0xb5: {  	[dreg:$0x3] =	wrdreg s16  }
0xb6: {  	[dreg:$0x4] =	wrdreg $0x90000  }
0xb7: {  	[dreg:$0x5] =	wrdreg $0x9  }
0xb8: {  	_ =	task.clear_ibuf [dreg:s7], $0x6FFFF;
	_ =	strace $0x90000046  }
0xb9: {  	s29 =	simm.s32 $0x9;
	_ =	strace $0x80000048  }
0xba: {  	_ =	swait.ge [sflag:s29], $0x1  }
0xbb: {  	[sflag:s29] =	ssyncadd.s32 $0xFFFFFFFF  }
0xbc: {  	_ =	strace $0x90000048  }
0xbd: {  	_ =	sfence  }
0xbe: {  	s30 =	sld [smem:$0x0];
	_ =	sdelay $0x2  }
0xbf: {  	s31 =	sshll.u32 s1, $0xD;
	s1 =	sshrl.u32 s1, $0x2  }
0xc0: {  	s3 =	sand.u32 $0x4000, s31;
	s1 =	sadd.s32 s1, s30  }
0xc1: {  	s0 =	sor.u32 s3, s0;
	s1 =	sshll.u32 s1, $0x11  }
0xc2: {  	s0 =	sor.u32 s1, s0  }
0xc3: {  	s0 =	sadd.s32 $0x8F2B, s0  }
0xc4: {  	[sflag:s0] =	ssyncadd.remote.s32 $0x1  }
0xc5: {  	_ =	sfence.sel $0xFFFF  }
0xc6: {  	[dreg:$0x0] =	wrdreg $0xFFFFFFFF;
	(pc) =	sbr.abs _section_cstart, $3  }
0xc7: {  	[dreg:$0x1] =	wrdreg $0xFFFFFFFF  }
0xc8: {  	_ =	task.clear_ibuf [dreg:s7], $0x2FFFF;
	_ =	strace $0x9FFFFFFF  }
0xc9: {  	(tm) =	ssettm $0x7FFFFFFF  }
tec
execute0_lowered:
.L_overlay_start_1:
0x0: {  	(tag) =	ssettag $0x1  }
0x1: {  	s8 =	rddreg [dreg:$0x0]  }
0x2: {  	s1 =	rddreg [dreg:$0x1]  }
0x3: {  	s3 =	rddreg [dreg:$0x2]  }
0x4: {  	s0 =	rddreg [dreg:$0x3]  }
0x5: {  	s4 =	simm.s32 $0x0;
	s2 =	stileid.u32;
	s9 =	srdreg.scid  }
0x6: {  	s16 =	simm.s32 $0x2800;
	s17 =	simm.s32 $0x7D;
	s18 =	simm.s32 $0x5000  }
0x7: {  	s19 =	simm.s32 $0x1;
	s20 =	simm.s32 $0x0;
	[smem:$0x7FF] =	sst s4  }
0x8: {  	s7 =	smul.u32 $0x500, s2;
	s5 =	sadd.s32 $0x10A00, s8;
	s6 =	sadd.s32 $0x37C00, s8  }
0x9: {  	s12 =	sand.u32 $0x1, s9;
	s31 =	smul.u32 $0x4F000, s2;
	s14 =	sshll.u32 s2, $0x6  }
0xa: {  	s10 =	ssub.s32 $0x2, s12;
	p0 =	seq.s32 s12, $0x1;
	s12 =	smul.u32 $0x2780, s2  }
.Ltmp0:
0xb: {  	_ =	strace $0x80000047;
	s11 =	sadd.s32 s7, s8;
	(pc) =	sbr.rel .LBB2_1-.Ltmp0, $4  }
0xc: {  	s7 =	sadd.s32 $0x5EE00, s8;
	s13 =	sshrl.u32 s10, $0x1;
	s9 =	sshrl.u32 s31, $0x2  }
0xd: {  	s8 =	sadd.s32 $0x61600, s8;
	s13 =	ssub.s32 s10, s13;
	s15 =	sadd.s32 s9, s3  }
0xe: {  	s9 =	sor.u32 $0x1C02, s14;
	s10 =	sadd.s32 $0xBA00, s11;
	s11 =	sadd.s32 $0x6A00, s11  }
0xf: {  	s13 =	smax.u32 s13, $0x1;
	s14 =	sshrl.u32 s15, $0x3;
	s15 =	simm.s32 $0x2  }
.LBB2_7:
0x10: {  	s21 =	sshra.s32 s21, $0x2;
	[sflag:s15] =	ssyncadd.s32 $0xFFFFC180  }
0x11: {  	[tilespmem:s18], [sflag:$0x1] =	stream.indirect.gather [hbm4b:s6+s17], $0x80, s21, s17, $0xb8;
	[tilespmem:$0x1CC00] =	vst v63  }
0x12: {  	_ =	swait.ge [sflag:s19], $0x3E80  }
0x13: {  	[sflag:s19] =	ssyncset.done $0x0  }
0x14: {  	s21 =	sadd.s32 $0x2800, s21;
	[sflag:s19] =	ssyncadd.s32 $0xFFFFC180  }
0x15: {  	[spmem:s3] =	stream.indirect.scatter.add.f32 [tilespmem:s18], [sflag:$0x2], $0x80, s21, s17, $0xb8;
	[tilespmem:$0x1CC00] =	vst v63  }
0x16: {  	_ =	swait.ge [sflag:s15], $0x3E80  }
0x17: {  	[sflag:s15] =	ssyncset.done $0x0  }
0x18: {  	s21 =	smov.u32 s8;
	[sflag:s15] =	ssyncadd.s32 $0xFFFFC180  }
.LBB2_8:
0x19: {  	s20 =	sadd.s32 $0x1, s20  }
0x1a: {  	p1 =	sne.s32 s20, s13  }
.Ltmp1:
0x1b: {  	s21 =	sadd.s32 s21, s12;
	[bflag:$0x0] =	sbarrier.arrive $0xFFFF;
	(pc) =	sbr.rel @!p1 .LBB2_9-.Ltmp1, $4  }
0x1c: {  	[hbm:s21], [sflag:s9] =	dma.local [spmem:s14], $0x2780  }
0x1d: {  	_ =	swait.ge [sflag:s15], $0x2780  }
0x1e: {  	[sflag:s15] =	ssyncset.done $0x0  }
0x1f: {  	[sflag:s15] =	ssyncadd.s32 $0xFFFFD880  }
.LBB2_1:
0x20: {  	[spmem:s14], [sflag:s9] =	dma.local [hbm:s7], $0x2780  }
0x21: {  	_ =	swait.ge [sflag:s15], $0x2780  }
0x22: {  	[sflag:s15] =	ssyncset.done $0x0  }
0x23: {  	[sflag:s15] =	ssyncadd.s32 $0xFFFFD880  }
0x24: {  	[tilespmem:s4], [sflag:$0x2] =	stream.linear.gather [hbm4b:s10+s4], $0x2800, $0x38;
	[tilespmem:$0x1CC00] =	vst v63  }
0x25: {  	_ =	swait.ge [sflag:s15], $0x2800  }
0x26: {  	[sflag:s15] =	ssyncset.done $0x0  }
0x27: {  	[sflag:s15] =	ssyncadd.s32 $0xFFFFD800  }
0x28: {  	[tilespmem:s16], [sflag:$0x2] =	stream.linear.gather [hbm4b:s11+s4], $0x2800, $0x38;
	[tilespmem:$0x1CC00] =	vst v63  }
.Ltmp2:
0x29: {  	_ =	swait.ge [sflag:s15], $0x2800;
	(pc) =	sbr.rel @!p0 .LBB2_2-.Ltmp2, $4  }
0x2a: {  	[sflag:s15] =	ssyncset.done $0x0  }
0x2b: {  	[sflag:s15] =	ssyncadd.s32 $0xFFFFD800  }
0x2c: {  	[bflag:$0x0] =	sbarrier.arrive $0xFFFF  }
0x2d: {  	s21 =	simm.s32 $0x0  }
0x2e: {  	[tilespmem:s18], [sflag:$0x1] =	stream.indirect.gather [hbm4b:s6+s17], $0x80, s21, s17, $0xb8;
	[tilespmem:$0x1CC00] =	vst v63  }
0x2f: {  	_ =	swait.ge [sflag:s19], $0x3E80  }
0x30: {  	[sflag:s19] =	ssyncset.done $0x0  }
0x31: {  	s31 =	simm.s32 $0x2800;
	[sflag:s19] =	ssyncadd.s32 $0xFFFFC180  }
0x32: {  	[spmem:s3] =	stream.indirect.scatter.add.f32 [tilespmem:s18], [sflag:$0x2], $0x80, s31, s17, $0xb8;
	[tilespmem:$0x1CC00] =	vst v63  }
0x33: {  	_ =	swait.ge [sflag:s15], $0x3E80  }
0x34: {  	s21 =	simm.s32 $0x200;
	s22 =	simm.s32 $0x400;
	[sflag:s15] =	ssyncset.done $0x0  }
.LBB2_6:
0x35: {  	s23 =	sshra.s32 s21, $0x2  }
0x36: {  	[sflag:s15] =	ssyncadd.s32 $0xFFFFC180;
	s21 =	smov.u32 s22;
	s24 =	sadd.s32 $0x200, s22  }
0x37: {  	[tilespmem:s18], [sflag:$0x1] =	stream.indirect.gather [hbm4b:s6+s17], $0x80, s23, s17, $0xb8;
	[tilespmem:$0x1CC00] =	vst v63  }
0x38: {  	p1 =	sne.s32 s22, $0x9E00;
	_ =	swait.ge [sflag:s19], $0x3E80  }
.Ltmp3:
0x39: {  	[sflag:s19] =	ssyncset.done $0x0;
	(pc) =	sbr.rel @p1 .LBB2_6-.Ltmp3, $4  }
0x3a: {  	s22 =	sadd.s32 $0x2800, s23;
	[sflag:s19] =	ssyncadd.s32 $0xFFFFC180  }
0x3b: {  	[spmem:s3] =	stream.indirect.scatter.add.f32 [tilespmem:s18], [sflag:$0x2], $0x80, s22, s17, $0xb8;
	[tilespmem:$0x1CC00] =	vst v63  }
0x3c: {  	_ =	swait.ge [sflag:s15], $0x3E80  }
0x3d: {  	s22 =	smov.u32 s24;
	[sflag:s15] =	ssyncset.done $0x0  }
.Ltmp4:
0x3e: {  	_ = 	snop;
	(pc) =	sbr.rel .LBB2_7-.Ltmp4, $1  }
0x3f: {  	_ =	sdelay $0x3  }
.LBB2_2:
0x40: {  	[tilespmem:s18], [sflag:$0x1] =	stream.indirect.gather [hbm4b:s5+s17], $0x80, s21, s17, $0xb8;
	[tilespmem:$0x1CC00] =	vst v63  }
0x41: {  	_ =	swait.ge [sflag:s19], $0x3E80  }
0x42: {  	[sflag:s19] =	ssyncset.done $0x0  }
0x43: {  	s31 =	simm.s32 $0x2800;
	[sflag:s19] =	ssyncadd.s32 $0xFFFFC180  }
0x44: {  	[spmem:s3] =	stream.indirect.scatter.add.f32 [tilespmem:s18], [sflag:$0x2], $0x80, s31, s17, $0xb8;
	[tilespmem:$0x1CC00] =	vst v63  }
0x45: {  	_ =	swait.ge [sflag:s15], $0x3E80  }
0x46: {  	s21 =	simm.s32 $0x200;
	s22 =	simm.s32 $0x400;
	[sflag:s15] =	ssyncset.done $0x0  }
.LBB2_3:
0x47: {  	s23 =	sshra.s32 s21, $0x2  }
0x48: {  	[sflag:s15] =	ssyncadd.s32 $0xFFFFC180;
	s21 =	smov.u32 s22;
	s24 =	sadd.s32 $0x200, s22  }
0x49: {  	[tilespmem:s18], [sflag:$0x1] =	stream.indirect.gather [hbm4b:s5+s17], $0x80, s23, s17, $0xb8;
	[tilespmem:$0x1CC00] =	vst v63  }
0x4a: {  	p1 =	seq.s32 s22, $0x9E00;
	_ =	swait.ge [sflag:s19], $0x3E80  }
.Ltmp5:
0x4b: {  	[sflag:s19] =	ssyncset.done $0x0;
	(pc) =	sbr.rel @!p1 .LBB2_3-.Ltmp5, $4  }
0x4c: {  	s22 =	sadd.s32 $0x2800, s23;
	[sflag:s19] =	ssyncadd.s32 $0xFFFFC180  }
0x4d: {  	[spmem:s3] =	stream.indirect.scatter.add.f32 [tilespmem:s18], [sflag:$0x2], $0x80, s22, s17, $0xb8;
	[tilespmem:$0x1CC00] =	vst v63  }
0x4e: {  	_ =	swait.ge [sflag:s15], $0x3E80  }
0x4f: {  	s22 =	smov.u32 s24;
	[sflag:s15] =	ssyncset.done $0x0  }
0x50: {  	s21 =	sshra.s32 s21, $0x2;
	[sflag:s15] =	ssyncadd.s32 $0xFFFFC180  }
0x51: {  	[tilespmem:s18], [sflag:$0x1] =	stream.indirect.gather [hbm4b:s5+s17], $0x80, s21, s17, $0xb8;
	[tilespmem:$0x1CC00] =	vst v63  }
0x52: {  	_ =	swait.ge [sflag:s19], $0x3E80  }
0x53: {  	[sflag:s19] =	ssyncset.done $0x0  }
.Ltmp6:
0x54: {  	s21 =	sadd.s32 $0x2800, s21;
	[sflag:s19] =	ssyncadd.s32 $0xFFFFC180;
	(pc) =	sbr.rel .LBB2_8-.Ltmp6, $4  }
0x55: {  	[spmem:s3] =	stream.indirect.scatter.add.f32 [tilespmem:s18], [sflag:$0x2], $0x80, s21, s17, $0xb8;
	[tilespmem:$0x1CC00] =	vst v63  }
0x56: {  	_ =	swait.ge [sflag:s15], $0x3E80  }
0x57: {  	[sflag:s15] =	ssyncset.done $0x0  }
0x58: {  	s21 =	smov.u32 s1;
	[sflag:s15] =	ssyncadd.s32 $0xFFFFC180  }
.LBB2_9:
0x59: {  	_ =	sfence.sel $0x180000  }
0x5a: {  	[bflag:$0x0] =	sbarrier.arrive $0xFFFF  }
0x5b: {  	p0 =	sne.s32 s2, $0x0;
	_ =	strace $0x90000047  }
0x5c: {  	s0 =	sadd.s32 @!p0 $0x100000, s0;
	[bflag:$0x2] =	sbarrier.arrive $0xFFFF  }
0x5d: {  	[sflag:s0] =	ssyncadd.tile.s32 @!p0 $0x1;
	_ =	shalt  }
.Lfunc_end2:
_tile_overlayer_lowered:
.L_overlay_start_2:
0x5e: {  	(tag) =	ssettag $0x2  }
0x5f: {  	s0 =	rddreg [dreg:$0x0];
	s2 =	stileid.u32  }
0x60: {  	s1 =	rddreg [dreg:$0x1];
	p0 =	sne.s32 s2, $0x0  }
0x61: {  	s3 =	rddreg [dreg:$0x2];
	[bflag:$0x3] =	sbarrier.arrive $0xFFFF;
	s2 =	simm.s32 @!p0 $0x1C02  }
0x62: {  	[timem:s3], [sflag:s2] =	dma.local @!p0 [hbm:s0], s1  }
0x63: {  	s0 =	simm.s32 @!p0 $0x2  }
0x64: {  	_ =	swait.ge @!p0 [sflag:s0], s1  }
0x65: {  	s1 =	ssub.s32 @!p0 $0x0, s1;
	[sflag:s0] =	ssyncset.done @!p0 $0x0  }
0x66: {  	[sflag:s0] =	ssyncadd.s32 @!p0 s1  }
0x67: {  	[bflag:$0x3] =	sbarrier.arrive $0xFFFF  }
0x68: {  	_ =	shalt  }

// kernel: kernel.14.cloned.1.call-start
scs
__scs_entry_jumppad:
0x0: {  	(pc) =	sbr.rel $0x88, $3  }
0x1: {  	(tag) =	ssettag $0x0;
	lr =	simm.s32 $0x1  }
0x2: {  	[smem:$0x3F8C] =	sst lr;
	_ =	strace $0xD0000000  }
0x3: {  	_ = 	snop  }
0x4: {  	_ = 	snop  }
0x5: {  	_ = 	snop  }
0x6: {  	_ = 	snop  }
0x7: {  	_ = 	snop  }
__scs_overlays_trampoline_lowered:
0x8: {  	[smem:$0x3F9B] =	sst s0  }
0x9: {  	[smem:$0x3F9C] =	sst s1  }
0xa: {  	[smem:$0x3F9D] =	sst s2  }
0xb: {  	[smem:$0x3F9E] =	sst s3  }
0xc: {  	[smem:$0x3F9F] =	sst s4  }
0xd: {  	[smem:$0x3FA0] =	sst s5  }
0xe: {  	[smem:$0x3FA1] =	sst s6  }
0xf: {  	[smem:$0x3FA2] =	sst s7  }
0x10: {  	[smem:$0x3FA3] =	sst s8  }
0x11: {  	[smem:$0x3FA4] =	sst s9;
	s0 =	simm.s32 @!p0 $0x0  }
0x12: {  	s1 =	sld [smem:$0x3F8A];
	s0 =	simm.s32 @p0 $0x1  }
0x13: {  	[smem:$0x3FA5] =	sst s0;
	s0 =	simm.s32 @!p1 $0x0  }
0x14: {  	s2 =	sld [smem:$0x3F89];
	s0 =	simm.s32 @p1 $0x1  }
0x15: {  	[smem:$0x3FA6] =	sst s0;
	s0 =	simm.s32 @!p2 $0x0  }
0x16: {  	s3 =	sld [smem:$0x3FDB];
	s0 =	simm.s32 @p2 $0x1  }
0x17: {  	s4 =	simm.s32 $0x1BF5;
	[smem:$0x3FA8] =	sst s0  }
0x18: {  	s0 =	sld [smem:$0x3F8B];
	_ =	swait.ge [sflag:s4], $0x0  }
0x19: {  	s7 =	sld [smem:$0x3F8C]  }
0x1a: {  	s8 =	sadd.s32 $0xFFFFE003, lr  }
0x1b: {  	s9 =	sadd.s32 $0xFFFFFEF7, lr;
	s5 =	simm.s32 $0xFFFFFFFF;
	p2 =	slt.u32 s8, $0xFFFFF086  }
0x1c: {  	p1 =	slt.u32 s9, $0xF7A;
	s5 =	simm.s32 @!p2 $0x0  }
0x1d: {  	s5 =	simm.s32 @p1 $0x1;
	p0 =	seq.s32 s7, s2  }
0x1e: {  	s7 =	smul.u32 @!p0 $0xF7A, s2;
	p2 =	seq.s32 @!p0 s5, $0x0  }
0x1f: {  	s9 =	smul.u32 $0xF7A, s1;
	s8 =	simm.s32 @!p0 $0x1BF5;
	p2 =	por !p2, p0  }
0x20: {  	[sflag:s8] =	ssyncset.s32 @!p0 $0xFFFFF086;
	s6 =	sadd.s32 @!p0 s3, s7;
	s7 =	simm.s32 @!p0 $0x108  }
0x21: {  	s3 =	sadd.s32 s3, s9;
	s6 =	sadd.s32 @!p0 $0x88, s6;
	s7 =	simm.s32 @p2 $0x1082  }
0x22: {  	[simem:s7], [sflag:s8] =	dma.local @!p0 [hbm:s6], $0xF7A  }
0x23: {  	s9 =	sor.u32 $0xD0000000, s2;
	s6 =	simm.s32 $0x108;
	_ =	swait.ge @!p0 [sflag:s8], $0x0  }
0x24: {  	s3 =	sadd.s32 $0x88, s3;
	s6 =	simm.s32 @!p1 $0x1082;
	[sflag:s4] =	ssyncset.s32 $0xFFFFF086  }
0x25: {  	[simem:s6], [sflag:s4] =	dma.local [hbm:s3], $0xF7A  }
0x26: {  	[smem:$0x3F8C] =	sst s1;
	(tag) =	ssettag s2;
	_ =	strace s9  }
0x27: {  	s1 =	sld [smem:$0x3F9C]  }
0x28: {  	s2 =	sld [smem:$0x3F9D]  }
0x29: {  	s4 =	sld [smem:$0x3F9F]  }
0x2a: {  	p0 =	seq.s32 s5, $0x0;
	s5 =	sld [smem:$0x3FA0]  }
0x2b: {  	s6 =	sld [smem:$0x3FA1]  }
0x2c: {  	s7 =	sld [smem:$0x3FA2]  }
0x2d: {  	s3 =	simm.s32 $0x108;
	s8 =	sld [smem:$0x3FA3]  }
0x2e: {  	s3 =	simm.s32 @!p0 $0x1082;
	s9 =	sld [smem:$0x3FA4]  }
0x2f: {  	lr =	sadd.s32 s0, s3;
	s0 =	sld [smem:$0x3F9B]  }
0x30: {  	s3 =	sld [smem:$0x3F9E]  }
0x31: {  	[smem:$0x3FA7] =	sst s10  }
0x32: {  	s10 =	sld [smem:$0x3FA5];
	_ =	sdelay $0x3  }
0x33: {  	p0 =	seq.s32 s10, $0x1;
	s10 =	sld [smem:$0x3FA7];
	_ =	sdelay $0x3  }
0x34: {  	[smem:$0x3FA7] =	sst s10  }
0x35: {  	s10 =	sld [smem:$0x3FA6];
	_ =	sdelay $0x3  }
0x36: {  	p1 =	seq.s32 s10, $0x1;
	s10 =	sld [smem:$0x3FA7];
	_ =	sdelay $0x3  }
0x37: {  	[smem:$0x3FA7] =	sst s10  }
0x38: {  	s10 =	sld [smem:$0x3FA8]  }
0x39: {  	_ = 	snop;
	(pc) =	sbr.ind lr, $3  }
0x3a: {  	_ = 	snop  }
0x3b: {  	_ = 	snop  }
0x3c: {  	p2 =	seq.s32 s10, $0x1;
	s10 =	sld [smem:$0x3FA7]  }
0x3d: {  	_ =	shalt  }
0x3e: {  	_ =	shalt  }
0x3f: {  	_ =	shalt  }
0x40: {  	_ =	shalt  }
0x41: {  	_ =	shalt  }
0x42: {  	_ =	shalt  }
0x43: {  	_ =	shalt  }
0x44: {  	_ =	shalt  }
0x45: {  	_ =	shalt  }
0x46: {  	_ =	shalt  }
0x47: {  	_ =	shalt  }
0x48: {  	_ =	shalt  }
0x49: {  	_ =	shalt  }
0x4a: {  	_ =	shalt  }
0x4b: {  	_ =	shalt  }
0x4c: {  	_ =	shalt  }
0x4d: {  	_ =	shalt  }
0x4e: {  	_ =	shalt  }
0x4f: {  	_ =	shalt  }
0x50: {  	_ =	shalt  }
0x51: {  	_ =	shalt  }
0x52: {  	_ =	shalt  }
0x53: {  	_ =	shalt  }
0x54: {  	_ =	shalt  }
0x55: {  	_ =	shalt  }
0x56: {  	_ =	shalt  }
0x57: {  	_ =	shalt  }
0x58: {  	_ =	shalt  }
0x59: {  	_ =	shalt  }
0x5a: {  	_ =	shalt  }
0x5b: {  	_ =	shalt  }
0x5c: {  	_ =	shalt  }
0x5d: {  	_ =	shalt  }
0x5e: {  	_ =	shalt  }
0x5f: {  	_ =	shalt  }
0x60: {  	_ =	shalt  }
0x61: {  	_ =	shalt  }
0x62: {  	_ =	shalt  }
0x63: {  	_ =	shalt  }
0x64: {  	_ =	shalt  }
0x65: {  	_ =	shalt  }
0x66: {  	_ =	shalt  }
0x67: {  	_ =	shalt  }
0x68: {  	_ =	shalt  }
0x69: {  	_ =	shalt  }
0x6a: {  	_ =	shalt  }
0x6b: {  	_ =	shalt  }
0x6c: {  	_ =	shalt  }
0x6d: {  	_ =	shalt  }
0x6e: {  	_ =	shalt  }
0x6f: {  	_ =	shalt  }
0x70: {  	_ =	shalt  }
0x71: {  	_ =	shalt  }
0x72: {  	_ =	shalt  }
0x73: {  	_ =	shalt  }
0x74: {  	_ =	shalt  }
0x75: {  	_ =	shalt  }
0x76: {  	_ =	shalt  }
0x77: {  	_ =	shalt  }
0x78: {  	_ =	shalt  }
0x79: {  	_ =	shalt  }
0x7a: {  	_ =	shalt  }
0x7b: {  	_ =	shalt  }
0x7c: {  	_ =	shalt  }
0x7d: {  	_ =	shalt  }
0x7e: {  	_ =	shalt  }
0x7f: {  	_ =	shalt  }
0x80: {  	_ =	shalt  }
0x81: {  	_ =	shalt  }
0x82: {  	_ =	shalt  }
0x83: {  	_ =	shalt  }
0x84: {  	_ =	shalt  }
0x85: {  	_ =	shalt  }
0x86: {  	_ =	shalt  }
0x87: {  	_ =	shalt  }
.Lfunc_end0:
.L_simem_size_0:
called_computation.1_lowered:
.L_overlay_start_0:
0x88: {  	s2 =	sld [smem:$0x3FD9]  }
0x89: {  	s3 =	sld [smem:$0x3FFE];
	_ =	sdelay $0x1  }
0x8a: {  	s1 =	srdreg.scid  }
0x8b: {  	s0 =	sand.u32 $0x1, s1  }
0x8c: {  	s16 =	sshll.u32 s0, $0xA;
	s2 =	sadd.s32 s3, s2  }
0x8d: {  	s2 =	sadd.s32 s2, s16  }
0x8e: {  	[smem:$0x3FB3] =	sst s2  }
0x8f: {  	_ = 	snop  }
0x90: {  	(tm) =	ssettm $0x1  }
0x91: {  	s17 =	sld [smem:$0x3FFB];
	_ =	sdelay $0x3  }
0x92: {  	_ =	strace s17  }
0x93: {  	s2 =	sld [smem:$0x3FFC];
	_ =	sdelay $0x3  }
0x94: {  	_ =	strace s2  }
0x95: {  	s2 =	sld [smem:$0x3FFD];
	_ =	sdelay $0x3  }
0x96: {  	_ =	strace s2  }
0x97: {  	_ =	strace $0x8FFFFFFF  }
0x98: {  	s18 =	sld [smem:$0x3FDB];
	_ =	sdelay $0x1  }
0x99: {  	s19 =	simm.s32 $_scs_section_size  }
0x9a: {  	s4 =	simm.s32 $_size__tile_overlayer_lowered;
	s5 =	simm.s32 $_tile_overlayer_lowered  }
0x9b: {  	s22 =	simm.s32 $0x1BFF;
	s21 =	sshll.u32 s5, $0x1;
	s2 =	sadd.s32 s19, s18  }
0x9c: {  	s6 =	simm.s32 $0x0;
	s20 =	sshll.u32 s4, $0x1;
	s4 =	sadd.s32 s21, s2  }
0x9d: {  	[timem:s6], [sflag:s22] =	dma.local [hbm:s4], s20  }
0x9e: {  	_ =	swait.ge [sflag:s22], s20  }
0x9f: {  	s3 =	ssub.s32 $0x0, s20;
	[sflag:s22] =	ssyncset.done $0x0  }
0xa0: {  	[sflag:s22] =	ssyncadd.s32 s3;
	_ =	sdelay $0x1  }
0xa1: {  	s23 =	simm.s32 $0x1B8B  }
0xa2: {  	_ =	swait.ge [sflag:s23], $0x1  }
0xa3: {  	[sflag:s23] =	ssyncset.done $0x0  }
0xa4: {  	s25 =	simm.s32 $0x1B8E;
	s24 =	sld [smem:$0x3FFE];
	[sflag:s23] =	ssyncadd.s32 $0xFFFFFFFF  }
0xa5: {  	s26 =	simm.s32 $execute0_lowered;
	[smem:$0x3FD2] =	sst s25  }
0xa6: {  	s4 =	sshll.u32 s26, $0x1;
	_ =	strace $0x80000049;
	[dreg:$0x1] =	wrdreg $0xFFFFFFFF  }
0xa7: {  	s28 =	simm.s32 $_size_execute0_lowered;
	s2 =	sadd.s32 s2, s4;
	[dreg:$0x0] =	wrdreg $0x0  }
0xa8: {  	s4 =	sshll.u32 s28, $0x1;
	[dreg:$0x2] =	wrdreg s2  }
0xa9: {  	[dreg:$0x3] =	wrdreg s4  }
0xaa: {  	[dreg:$0x4] =	wrdreg $0xC0  }
0xab: {  	_ =	task [dreg:s6], $0x5FFFF  }
0xac: {  	[dreg:$0x1] =	wrdreg $0xFFFFFFFF  }
0xad: {  	[dreg:$0x0] =	wrdreg $0x60  }
0xae: {  	[dreg:$0x2] =	wrdreg s24  }
0xaf: {  	[dreg:$0x3] =	wrdreg $0x90000  }
0xb0: {  	[dreg:$0x4] =	wrdreg $0x9  }
0xb1: {  	_ =	task.clear_ibuf [dreg:s6], $0x5FFFF;
	_ =	strace $0x90000049  }
0xb2: {  	s29 =	simm.s32 $0x9;
	_ =	strace $0x8000004B  }
0xb3: {  	_ =	swait.ge [sflag:s29], $0x1  }
0xb4: {  	[sflag:s29] =	ssyncadd.s32 $0xFFFFFFFF  }
0xb5: {  	_ =	strace $0x9000004B  }
0xb6: {  	_ =	sfence  }
0xb7: {  	s30 =	sld [smem:$0x0];
	_ =	sdelay $0x2  }
0xb8: {  	s31 =	sshll.u32 s1, $0xD;
	s1 =	sshrl.u32 s1, $0x2  }
0xb9: {  	s3 =	sand.u32 $0x4000, s31;
	s1 =	sadd.s32 s1, s30  }
0xba: {  	s0 =	sor.u32 s3, s0;
	s1 =	sshll.u32 s1, $0x11  }
0xbb: {  	s0 =	sor.u32 s1, s0  }
0xbc: {  	s0 =	sadd.s32 $0x8F2B, s0  }
0xbd: {  	[sflag:s0] =	ssyncadd.remote.s32 $0x1  }
0xbe: {  	_ =	sfence.sel $0xFFFF  }
0xbf: {  	[dreg:$0x0] =	wrdreg $0xFFFFFFFF;
	(pc) =	sbr.abs _section_cstart, $3  }
0xc0: {  	[dreg:$0x1] =	wrdreg $0xFFFFFFFF  }
0xc1: {  	_ =	task.clear_ibuf [dreg:s6], $0x2FFFF;
	_ =	strace $0x9FFFFFFF  }
0xc2: {  	(tm) =	ssettm $0x7FFFFFFF  }
0xc3: {  	_ =	shalt  }
tec
execute0_lowered:
.L_overlay_start_1:
0x0: {  	(tag) =	ssettag $0x1  }
0x1: {  	s8 =	rddreg [dreg:$0x0]  }
0x2: {  	s2 =	rddreg [dreg:$0x1]  }
0x3: {  	s0 =	rddreg [dreg:$0x2];
	s3 =	simm.s32 $0x0  }
0x4: {  	s1 =	stileid.u32;
	s7 =	srdreg.scid;
	s16 =	simm.s32 $0x2800  }
0x5: {  	s17 =	simm.s32 $0x7D;
	s18 =	simm.s32 $0x5000;
	s19 =	simm.s32 $0x1  }
0x6: {  	s20 =	simm.s32 $0x0;
	[smem:$0x7FF] =	sst s3;
	s6 =	smul.u32 $0x500, s1  }
0x7: {  	s4 =	sadd.s32 $0x10A00, s8;
	s5 =	sadd.s32 $0x37C00, s8;
	s12 =	sand.u32 $0x1, s7  }
0x8: {  	s9 =	smul.u32 $0x4F000, s1;
	s7 =	sadd.s32 $0x61600, s8;
	s14 =	sshll.u32 s1, $0x6  }
0x9: {  	s10 =	ssub.s32 $0x2, s12;
	p0 =	seq.s32 s12, $0x1;
	s12 =	smul.u32 $0x2780, s1  }
.Ltmp0:
0xa: {  	_ =	strace $0x8000004A;
	s11 =	sadd.s32 s6, s8;
	(pc) =	sbr.rel .LBB2_1-.Ltmp0, $4  }
0xb: {  	s6 =	sadd.s32 $0x5EE00, s8;
	s13 =	sshrl.u32 s10, $0x1;
	s9 =	sshrl.u32 s9, $0x2  }
0xc: {  	s8 =	sadd.s32 $0x88E00, s8;
	s13 =	ssub.s32 s10, s13;
	s15 =	sadd.s32 s9, s2  }
0xd: {  	s9 =	sor.u32 $0x1C02, s14;
	s10 =	sadd.s32 $0xBA00, s11;
	s11 =	sadd.s32 $0x6A00, s11  }
0xe: {  	s13 =	smax.u32 s13, $0x1;
	s14 =	sshrl.u32 s15, $0x3;
	s15 =	simm.s32 $0x2  }
.LBB2_7:
0xf: {  	s21 =	sshra.s32 s21, $0x2;
	[sflag:s15] =	ssyncadd.s32 $0xFFFFC180  }
0x10: {  	[tilespmem:s18], [sflag:$0x1] =	stream.indirect.gather [hbm4b:s5+s17], $0x80, s21, s17, $0xb8;
	[tilespmem:$0x1CC00] =	vst v63  }
0x11: {  	_ =	swait.ge [sflag:s19], $0x3E80  }
0x12: {  	[sflag:s19] =	ssyncset.done $0x0  }
0x13: {  	s21 =	sadd.s32 $0x2800, s21;
	[sflag:s19] =	ssyncadd.s32 $0xFFFFC180  }
0x14: {  	[spmem:s2] =	stream.indirect.scatter.add.f32 [tilespmem:s18], [sflag:$0x2], $0x80, s21, s17, $0xb8;
	[tilespmem:$0x1CC00] =	vst v63  }
0x15: {  	_ =	swait.ge [sflag:s15], $0x3E80  }
0x16: {  	[sflag:s15] =	ssyncset.done $0x0  }
0x17: {  	s21 =	smov.u32 s8;
	[sflag:s15] =	ssyncadd.s32 $0xFFFFC180  }
.LBB2_8:
0x18: {  	s20 =	sadd.s32 $0x1, s20  }
0x19: {  	p1 =	sne.s32 s20, s13  }
.Ltmp1:
0x1a: {  	s21 =	sadd.s32 s21, s12;
	[bflag:$0x0] =	sbarrier.arrive $0xFFFF;
	(pc) =	sbr.rel @!p1 .LBB2_9-.Ltmp1, $4  }
0x1b: {  	[hbm:s21], [sflag:s9] =	dma.local [spmem:s14], $0x2780  }
0x1c: {  	_ =	swait.ge [sflag:s15], $0x2780  }
0x1d: {  	[sflag:s15] =	ssyncset.done $0x0  }
0x1e: {  	[sflag:s15] =	ssyncadd.s32 $0xFFFFD880  }
.LBB2_1:
0x1f: {  	[spmem:s14], [sflag:s9] =	dma.local [hbm:s6], $0x2780  }
0x20: {  	_ =	swait.ge [sflag:s15], $0x2780  }
0x21: {  	[sflag:s15] =	ssyncset.done $0x0  }
0x22: {  	[sflag:s15] =	ssyncadd.s32 $0xFFFFD880  }
0x23: {  	[tilespmem:s3], [sflag:$0x2] =	stream.linear.gather [hbm4b:s10+s3], $0x2800, $0x38;
	[tilespmem:$0x1CC00] =	vst v63  }
0x24: {  	_ =	swait.ge [sflag:s15], $0x2800  }
0x25: {  	[sflag:s15] =	ssyncset.done $0x0  }
0x26: {  	[sflag:s15] =	ssyncadd.s32 $0xFFFFD800  }
0x27: {  	[tilespmem:s16], [sflag:$0x2] =	stream.linear.gather [hbm4b:s11+s3], $0x2800, $0x38;
	[tilespmem:$0x1CC00] =	vst v63  }
.Ltmp2:
0x28: {  	_ =	swait.ge [sflag:s15], $0x2800;
	(pc) =	sbr.rel @!p0 .LBB2_2-.Ltmp2, $4  }
0x29: {  	[sflag:s15] =	ssyncset.done $0x0  }
0x2a: {  	[sflag:s15] =	ssyncadd.s32 $0xFFFFD800  }
0x2b: {  	[bflag:$0x0] =	sbarrier.arrive $0xFFFF  }
0x2c: {  	s21 =	simm.s32 $0x0  }
0x2d: {  	[tilespmem:s18], [sflag:$0x1] =	stream.indirect.gather [hbm4b:s5+s17], $0x80, s21, s17, $0xb8;
	[tilespmem:$0x1CC00] =	vst v63  }
0x2e: {  	_ =	swait.ge [sflag:s19], $0x3E80  }
0x2f: {  	[sflag:s19] =	ssyncset.done $0x0  }
0x30: {  	s31 =	simm.s32 $0x2800;
	[sflag:s19] =	ssyncadd.s32 $0xFFFFC180  }
0x31: {  	[spmem:s2] =	stream.indirect.scatter.add.f32 [tilespmem:s18], [sflag:$0x2], $0x80, s31, s17, $0xb8;
	[tilespmem:$0x1CC00] =	vst v63  }
0x32: {  	_ =	swait.ge [sflag:s15], $0x3E80  }
0x33: {  	s21 =	simm.s32 $0x200;
	s22 =	simm.s32 $0x400;
	[sflag:s15] =	ssyncset.done $0x0  }
.LBB2_6:
0x34: {  	s23 =	sshra.s32 s21, $0x2  }
0x35: {  	[sflag:s15] =	ssyncadd.s32 $0xFFFFC180;
	s21 =	smov.u32 s22;
	s24 =	sadd.s32 $0x200, s22  }
0x36: {  	[tilespmem:s18], [sflag:$0x1] =	stream.indirect.gather [hbm4b:s5+s17], $0x80, s23, s17, $0xb8;
	[tilespmem:$0x1CC00] =	vst v63  }
0x37: {  	p1 =	sne.s32 s22, $0x9E00;
	_ =	swait.ge [sflag:s19], $0x3E80  }
.Ltmp3:
0x38: {  	[sflag:s19] =	ssyncset.done $0x0;
	(pc) =	sbr.rel @p1 .LBB2_6-.Ltmp3, $4  }
0x39: {  	s22 =	sadd.s32 $0x2800, s23;
	[sflag:s19] =	ssyncadd.s32 $0xFFFFC180  }
0x3a: {  	[spmem:s2] =	stream.indirect.scatter.add.f32 [tilespmem:s18], [sflag:$0x2], $0x80, s22, s17, $0xb8;
	[tilespmem:$0x1CC00] =	vst v63  }
0x3b: {  	_ =	swait.ge [sflag:s15], $0x3E80  }
0x3c: {  	s22 =	smov.u32 s24;
	[sflag:s15] =	ssyncset.done $0x0  }
.Ltmp4:
0x3d: {  	_ = 	snop;
	(pc) =	sbr.rel .LBB2_7-.Ltmp4, $1  }
0x3e: {  	_ =	sdelay $0x3  }
.LBB2_2:
0x3f: {  	[tilespmem:s18], [sflag:$0x1] =	stream.indirect.gather [hbm4b:s4+s17], $0x80, s21, s17, $0xb8;
	[tilespmem:$0x1CC00] =	vst v63  }
0x40: {  	_ =	swait.ge [sflag:s19], $0x3E80  }
0x41: {  	[sflag:s19] =	ssyncset.done $0x0  }
0x42: {  	s31 =	simm.s32 $0x2800;
	[sflag:s19] =	ssyncadd.s32 $0xFFFFC180  }
0x43: {  	[spmem:s2] =	stream.indirect.scatter.add.f32 [tilespmem:s18], [sflag:$0x2], $0x80, s31, s17, $0xb8;
	[tilespmem:$0x1CC00] =	vst v63  }
0x44: {  	_ =	swait.ge [sflag:s15], $0x3E80  }
0x45: {  	s21 =	simm.s32 $0x200;
	s22 =	simm.s32 $0x400;
	[sflag:s15] =	ssyncset.done $0x0  }
.LBB2_3:
0x46: {  	s23 =	sshra.s32 s21, $0x2  }
0x47: {  	[sflag:s15] =	ssyncadd.s32 $0xFFFFC180;
	s21 =	smov.u32 s22;
	s24 =	sadd.s32 $0x200, s22  }
0x48: {  	[tilespmem:s18], [sflag:$0x1] =	stream.indirect.gather [hbm4b:s4+s17], $0x80, s23, s17, $0xb8;
	[tilespmem:$0x1CC00] =	vst v63  }
0x49: {  	p1 =	seq.s32 s22, $0x9E00;
	_ =	swait.ge [sflag:s19], $0x3E80  }
.Ltmp5:
0x4a: {  	[sflag:s19] =	ssyncset.done $0x0;
	(pc) =	sbr.rel @!p1 .LBB2_3-.Ltmp5, $4  }
0x4b: {  	s22 =	sadd.s32 $0x2800, s23;
	[sflag:s19] =	ssyncadd.s32 $0xFFFFC180  }
0x4c: {  	[spmem:s2] =	stream.indirect.scatter.add.f32 [tilespmem:s18], [sflag:$0x2], $0x80, s22, s17, $0xb8;
	[tilespmem:$0x1CC00] =	vst v63  }
0x4d: {  	_ =	swait.ge [sflag:s15], $0x3E80  }
0x4e: {  	s22 =	smov.u32 s24;
	[sflag:s15] =	ssyncset.done $0x0  }
0x4f: {  	s21 =	sshra.s32 s21, $0x2;
	[sflag:s15] =	ssyncadd.s32 $0xFFFFC180  }
0x50: {  	[tilespmem:s18], [sflag:$0x1] =	stream.indirect.gather [hbm4b:s4+s17], $0x80, s21, s17, $0xb8;
	[tilespmem:$0x1CC00] =	vst v63  }
0x51: {  	_ =	swait.ge [sflag:s19], $0x3E80  }
0x52: {  	[sflag:s19] =	ssyncset.done $0x0  }
.Ltmp6:
0x53: {  	s21 =	sadd.s32 $0x2800, s21;
	[sflag:s19] =	ssyncadd.s32 $0xFFFFC180;
	(pc) =	sbr.rel .LBB2_8-.Ltmp6, $4  }
0x54: {  	[spmem:s2] =	stream.indirect.scatter.add.f32 [tilespmem:s18], [sflag:$0x2], $0x80, s21, s17, $0xb8;
	[tilespmem:$0x1CC00] =	vst v63  }
0x55: {  	_ =	swait.ge [sflag:s15], $0x3E80  }
0x56: {  	[sflag:s15] =	ssyncset.done $0x0  }
0x57: {  	s21 =	smov.u32 s7;
	[sflag:s15] =	ssyncadd.s32 $0xFFFFC180  }
.LBB2_9:
0x58: {  	_ =	sfence.sel $0x180000  }
0x59: {  	[bflag:$0x0] =	sbarrier.arrive $0xFFFF  }
0x5a: {  	p0 =	sne.s32 s1, $0x0;
	_ =	strace $0x9000004A  }
0x5b: {  	s0 =	sadd.s32 @!p0 $0x100000, s0;
	[bflag:$0x2] =	sbarrier.arrive $0xFFFF  }
0x5c: {  	[sflag:s0] =	ssyncadd.tile.s32 @!p0 $0x1;
	_ =	shalt  }
.Lfunc_end2:
_tile_overlayer_lowered:
.L_overlay_start_2:
0x5d: {  	(tag) =	ssettag $0x2  }
0x5e: {  	s0 =	rddreg [dreg:$0x0];
	s2 =	stileid.u32  }
0x5f: {  	s1 =	rddreg [dreg:$0x1];
	p0 =	sne.s32 s2, $0x0  }
0x60: {  	s3 =	rddreg [dreg:$0x2];
	[bflag:$0x3] =	sbarrier.arrive $0xFFFF;
	s2 =	simm.s32 @!p0 $0x1C02  }
0x61: {  	[timem:s3], [sflag:s2] =	dma.local @!p0 [hbm:s0], s1  }
0x62: {  	s0 =	simm.s32 @!p0 $0x2  }
0x63: {  	_ =	swait.ge @!p0 [sflag:s0], s1  }
0x64: {  	s1 =	ssub.s32 @!p0 $0x0, s1;
	[sflag:s0] =	ssyncset.done @!p0 $0x0  }
0x65: {  	[sflag:s0] =	ssyncadd.s32 @!p0 s1  }
0x66: {  	[bflag:$0x3] =	sbarrier.arrive $0xFFFF  }
0x67: {  	_ =	shalt  }

// kernel: kernel.17.cloned.1.call-start
scs
__scs_entry_jumppad:
0x0: {  	(pc) =	sbr.rel $0x88, $3  }
0x1: {  	(tag) =	ssettag $0x0;
	lr =	simm.s32 $0x1  }
0x2: {  	[smem:$0x3F8C] =	sst lr;
	_ =	strace $0xD0000000  }
0x3: {  	_ = 	snop  }
0x4: {  	_ = 	snop  }
0x5: {  	_ = 	snop  }
0x6: {  	_ = 	snop  }
0x7: {  	_ = 	snop  }
__scs_overlays_trampoline_lowered:
0x8: {  	[smem:$0x3F9B] =	sst s0  }
0x9: {  	[smem:$0x3F9C] =	sst s1  }
0xa: {  	[smem:$0x3F9D] =	sst s2  }
0xb: {  	[smem:$0x3F9E] =	sst s3  }
0xc: {  	[smem:$0x3F9F] =	sst s4  }
0xd: {  	[smem:$0x3FA0] =	sst s5  }
0xe: {  	[smem:$0x3FA1] =	sst s6  }
0xf: {  	[smem:$0x3FA2] =	sst s7  }
0x10: {  	[smem:$0x3FA3] =	sst s8  }
0x11: {  	[smem:$0x3FA4] =	sst s9;
	s0 =	simm.s32 @!p0 $0x0  }
0x12: {  	s1 =	sld [smem:$0x3F8A];
	s0 =	simm.s32 @p0 $0x1  }
0x13: {  	[smem:$0x3FA5] =	sst s0;
	s0 =	simm.s32 @!p1 $0x0  }
0x14: {  	s2 =	sld [smem:$0x3F89];
	s0 =	simm.s32 @p1 $0x1  }
0x15: {  	[smem:$0x3FA6] =	sst s0;
	s0 =	simm.s32 @!p2 $0x0  }
0x16: {  	s3 =	sld [smem:$0x3FDB];
	s0 =	simm.s32 @p2 $0x1  }
0x17: {  	s4 =	simm.s32 $0x1BF5;
	[smem:$0x3FA8] =	sst s0  }
0x18: {  	s0 =	sld [smem:$0x3F8B];
	_ =	swait.ge [sflag:s4], $0x0  }
0x19: {  	s7 =	sld [smem:$0x3F8C]  }
0x1a: {  	s8 =	sadd.s32 $0xFFFFE003, lr  }
0x1b: {  	s9 =	sadd.s32 $0xFFFFFEF7, lr;
	s5 =	simm.s32 $0xFFFFFFFF;
	p2 =	slt.u32 s8, $0xFFFFF086  }
0x1c: {  	p1 =	slt.u32 s9, $0xF7A;
	s5 =	simm.s32 @!p2 $0x0  }
0x1d: {  	s5 =	simm.s32 @p1 $0x1;
	p0 =	seq.s32 s7, s2  }
0x1e: {  	s7 =	smul.u32 @!p0 $0xF7A, s2;
	p2 =	seq.s32 @!p0 s5, $0x0  }
0x1f: {  	s9 =	smul.u32 $0xF7A, s1;
	s8 =	simm.s32 @!p0 $0x1BF5;
	p2 =	por !p2, p0  }
0x20: {  	[sflag:s8] =	ssyncset.s32 @!p0 $0xFFFFF086;
	s6 =	sadd.s32 @!p0 s3, s7;
	s7 =	simm.s32 @!p0 $0x108  }
0x21: {  	s3 =	sadd.s32 s3, s9;
	s6 =	sadd.s32 @!p0 $0x88, s6;
	s7 =	simm.s32 @p2 $0x1082  }
0x22: {  	[simem:s7], [sflag:s8] =	dma.local @!p0 [hbm:s6], $0xF7A  }
0x23: {  	s9 =	sor.u32 $0xD0000000, s2;
	s6 =	simm.s32 $0x108;
	_ =	swait.ge @!p0 [sflag:s8], $0x0  }
0x24: {  	s3 =	sadd.s32 $0x88, s3;
	s6 =	simm.s32 @!p1 $0x1082;
	[sflag:s4] =	ssyncset.s32 $0xFFFFF086  }
0x25: {  	[simem:s6], [sflag:s4] =	dma.local [hbm:s3], $0xF7A  }
0x26: {  	[smem:$0x3F8C] =	sst s1;
	(tag) =	ssettag s2;
	_ =	strace s9  }
0x27: {  	s1 =	sld [smem:$0x3F9C]  }
0x28: {  	s2 =	sld [smem:$0x3F9D]  }
0x29: {  	s4 =	sld [smem:$0x3F9F]  }
0x2a: {  	p0 =	seq.s32 s5, $0x0;
	s5 =	sld [smem:$0x3FA0]  }
0x2b: {  	s6 =	sld [smem:$0x3FA1]  }
0x2c: {  	s7 =	sld [smem:$0x3FA2]  }
0x2d: {  	s3 =	simm.s32 $0x108;
	s8 =	sld [smem:$0x3FA3]  }
0x2e: {  	s3 =	simm.s32 @!p0 $0x1082;
	s9 =	sld [smem:$0x3FA4]  }
0x2f: {  	lr =	sadd.s32 s0, s3;
	s0 =	sld [smem:$0x3F9B]  }
0x30: {  	s3 =	sld [smem:$0x3F9E]  }
0x31: {  	[smem:$0x3FA7] =	sst s10  }
0x32: {  	s10 =	sld [smem:$0x3FA5];
	_ =	sdelay $0x3  }
0x33: {  	p0 =	seq.s32 s10, $0x1;
	s10 =	sld [smem:$0x3FA7];
	_ =	sdelay $0x3  }
0x34: {  	[smem:$0x3FA7] =	sst s10  }
0x35: {  	s10 =	sld [smem:$0x3FA6];
	_ =	sdelay $0x3  }
0x36: {  	p1 =	seq.s32 s10, $0x1;
	s10 =	sld [smem:$0x3FA7];
	_ =	sdelay $0x3  }
0x37: {  	[smem:$0x3FA7] =	sst s10  }
0x38: {  	s10 =	sld [smem:$0x3FA8]  }
0x39: {  	_ = 	snop;
	(pc) =	sbr.ind lr, $3  }
0x3a: {  	_ = 	snop  }
0x3b: {  	_ = 	snop  }
0x3c: {  	p2 =	seq.s32 s10, $0x1;
	s10 =	sld [smem:$0x3FA7]  }
0x3d: {  	_ =	shalt  }
0x3e: {  	_ =	shalt  }
0x3f: {  	_ =	shalt  }
0x40: {  	_ =	shalt  }
0x41: {  	_ =	shalt  }
0x42: {  	_ =	shalt  }
0x43: {  	_ =	shalt  }
0x44: {  	_ =	shalt  }
0x45: {  	_ =	shalt  }
0x46: {  	_ =	shalt  }
0x47: {  	_ =	shalt  }
0x48: {  	_ =	shalt  }
0x49: {  	_ =	shalt  }
0x4a: {  	_ =	shalt  }
0x4b: {  	_ =	shalt  }
0x4c: {  	_ =	shalt  }
0x4d: {  	_ =	shalt  }
0x4e: {  	_ =	shalt  }
0x4f: {  	_ =	shalt  }
0x50: {  	_ =	shalt  }
0x51: {  	_ =	shalt  }
0x52: {  	_ =	shalt  }
0x53: {  	_ =	shalt  }
0x54: {  	_ =	shalt  }
0x55: {  	_ =	shalt  }
0x56: {  	_ =	shalt  }
0x57: {  	_ =	shalt  }
0x58: {  	_ =	shalt  }
0x59: {  	_ =	shalt  }
0x5a: {  	_ =	shalt  }
0x5b: {  	_ =	shalt  }
0x5c: {  	_ =	shalt  }
0x5d: {  	_ =	shalt  }
0x5e: {  	_ =	shalt  }
0x5f: {  	_ =	shalt  }
0x60: {  	_ =	shalt  }
0x61: {  	_ =	shalt  }
0x62: {  	_ =	shalt  }
0x63: {  	_ =	shalt  }
0x64: {  	_ =	shalt  }
0x65: {  	_ =	shalt  }
0x66: {  	_ =	shalt  }
0x67: {  	_ =	shalt  }
0x68: {  	_ =	shalt  }
0x69: {  	_ =	shalt  }
0x6a: {  	_ =	shalt  }
0x6b: {  	_ =	shalt  }
0x6c: {  	_ =	shalt  }
0x6d: {  	_ =	shalt  }
0x6e: {  	_ =	shalt  }
0x6f: {  	_ =	shalt  }
0x70: {  	_ =	shalt  }
0x71: {  	_ =	shalt  }
0x72: {  	_ =	shalt  }
0x73: {  	_ =	shalt  }
0x74: {  	_ =	shalt  }
0x75: {  	_ =	shalt  }
0x76: {  	_ =	shalt  }
0x77: {  	_ =	shalt  }
0x78: {  	_ =	shalt  }
0x79: {  	_ =	shalt  }
0x7a: {  	_ =	shalt  }
0x7b: {  	_ =	shalt  }
0x7c: {  	_ =	shalt  }
0x7d: {  	_ =	shalt  }
0x7e: {  	_ =	shalt  }
0x7f: {  	_ =	shalt  }
0x80: {  	_ =	shalt  }
0x81: {  	_ =	shalt  }
0x82: {  	_ =	shalt  }
0x83: {  	_ =	shalt  }
0x84: {  	_ =	shalt  }
0x85: {  	_ =	shalt  }
0x86: {  	_ =	shalt  }
0x87: {  	_ =	shalt  }
.Lfunc_end0:
.L_simem_size_0:
called_computation.2_lowered:
.L_overlay_start_0:
0x88: {  	s2 =	sld [smem:$0x3FD9]  }
0x89: {  	s3 =	sld [smem:$0x3FFE];
	_ =	sdelay $0x1  }
0x8a: {  	s1 =	srdreg.scid  }
0x8b: {  	s0 =	sand.u32 $0x1, s1  }
0x8c: {  	s16 =	sshll.u32 s0, $0xA;
	s2 =	sadd.s32 s3, s2  }
0x8d: {  	s2 =	sadd.s32 s2, s16  }
0x8e: {  	[smem:$0x3FB3] =	sst s2  }
0x8f: {  	_ = 	snop  }
0x90: {  	(tm) =	ssettm $0x1  }
0x91: {  	s17 =	sld [smem:$0x3FFB];
	_ =	sdelay $0x3  }
0x92: {  	_ =	strace s17  }
0x93: {  	s2 =	sld [smem:$0x3FFC];
	_ =	sdelay $0x3  }
0x94: {  	_ =	strace s2  }
0x95: {  	s2 =	sld [smem:$0x3FFD];
	_ =	sdelay $0x3  }
0x96: {  	_ =	strace s2  }
0x97: {  	_ =	strace $0x8FFFFFFF  }
0x98: {  	s18 =	sld [smem:$0x3FDB];
	_ =	sdelay $0x1  }
0x99: {  	s19 =	simm.s32 $_scs_section_size  }
0x9a: {  	s4 =	simm.s32 $_size__tile_overlayer_lowered;
	s5 =	simm.s32 $_tile_overlayer_lowered  }
0x9b: {  	s22 =	simm.s32 $0x1BFF;
	s21 =	sshll.u32 s5, $0x1;
	s2 =	sadd.s32 s19, s18  }
0x9c: {  	s6 =	simm.s32 $0x0;
	s20 =	sshll.u32 s4, $0x1;
	s4 =	sadd.s32 s21, s2  }
0x9d: {  	[timem:s6], [sflag:s22] =	dma.local [hbm:s4], s20  }
0x9e: {  	_ =	swait.ge [sflag:s22], s20  }
0x9f: {  	s3 =	ssub.s32 $0x0, s20;
	[sflag:s22] =	ssyncset.done $0x0  }
0xa0: {  	[sflag:s22] =	ssyncadd.s32 s3;
	_ =	sdelay $0x1  }
0xa1: {  	s23 =	simm.s32 $0x1B8B  }
0xa2: {  	_ =	swait.ge [sflag:s23], $0x1  }
0xa3: {  	[sflag:s23] =	ssyncset.done $0x0  }
0xa4: {  	s25 =	simm.s32 $0x1B8E;
	s24 =	sld [smem:$0x3FFE];
	[sflag:s23] =	ssyncadd.s32 $0xFFFFFFFF  }
0xa5: {  	s26 =	simm.s32 $execute0_lowered;
	[smem:$0x3FD2] =	sst s25  }
0xa6: {  	s4 =	sshll.u32 s26, $0x1;
	_ =	strace $0x8000004C;
	[dreg:$0x1] =	wrdreg $0xFFFFFFFF  }
0xa7: {  	s28 =	simm.s32 $_size_execute0_lowered;
	s2 =	sadd.s32 s2, s4;
	[dreg:$0x0] =	wrdreg $0x0  }
0xa8: {  	s4 =	sshll.u32 s28, $0x1;
	[dreg:$0x2] =	wrdreg s2  }
0xa9: {  	[dreg:$0x3] =	wrdreg s4  }
0xaa: {  	[dreg:$0x4] =	wrdreg $0xC0  }
0xab: {  	_ =	task [dreg:s6], $0x5FFFF  }
0xac: {  	[dreg:$0x1] =	wrdreg $0xFFFFFFFF  }
0xad: {  	[dreg:$0x0] =	wrdreg $0x60  }
0xae: {  	[dreg:$0x2] =	wrdreg s24  }
0xaf: {  	[dreg:$0x3] =	wrdreg $0x90000  }
0xb0: {  	[dreg:$0x4] =	wrdreg $0x9  }
0xb1: {  	_ =	task.clear_ibuf [dreg:s6], $0x5FFFF;
	_ =	strace $0x9000004C  }
0xb2: {  	s29 =	simm.s32 $0x9;
	_ =	strace $0x8000004E  }
0xb3: {  	_ =	swait.ge [sflag:s29], $0x1  }
0xb4: {  	[sflag:s29] =	ssyncadd.s32 $0xFFFFFFFF  }
0xb5: {  	_ =	strace $0x9000004E  }
0xb6: {  	_ =	sfence  }
0xb7: {  	s30 =	sld [smem:$0x0];
	_ =	sdelay $0x2  }
0xb8: {  	s31 =	sshll.u32 s1, $0xD;
	s1 =	sshrl.u32 s1, $0x2  }
0xb9: {  	s3 =	sand.u32 $0x4000, s31;
	s1 =	sadd.s32 s1, s30  }
0xba: {  	s0 =	sor.u32 s3, s0;
	s1 =	sshll.u32 s1, $0x11  }
0xbb: {  	s0 =	sor.u32 s1, s0  }
0xbc: {  	s0 =	sadd.s32 $0x8F2B, s0  }
0xbd: {  	[sflag:s0] =	ssyncadd.remote.s32 $0x1  }
0xbe: {  	_ =	sfence.sel $0xFFFF  }
0xbf: {  	[dreg:$0x0] =	wrdreg $0xFFFFFFFF;
	(pc) =	sbr.abs _section_cstart, $3  }
0xc0: {  	[dreg:$0x1] =	wrdreg $0xFFFFFFFF  }
0xc1: {  	_ =	task.clear_ibuf [dreg:s6], $0x2FFFF;
	_ =	strace $0x9FFFFFFF  }
0xc2: {  	(tm) =	ssettm $0x7FFFFFFF  }
0xc3: {  	_ =	shalt  }
tec
execute0_lowered:
.L_overlay_start_1:
0x0: {  	(tag) =	ssettag $0x1  }
0x1: {  	s8 =	rddreg [dreg:$0x0]  }
0x2: {  	s2 =	rddreg [dreg:$0x1]  }
0x3: {  	s0 =	rddreg [dreg:$0x2];
	s3 =	simm.s32 $0x0  }
0x4: {  	s1 =	stileid.u32;
	s7 =	srdreg.scid;
	s16 =	simm.s32 $0x2800  }
0x5: {  	s17 =	simm.s32 $0x7D;
	s18 =	simm.s32 $0x5000;
	s19 =	simm.s32 $0x1  }
0x6: {  	s20 =	simm.s32 $0x0;
	[smem:$0x7FF] =	sst s3;
	s6 =	smul.u32 $0x500, s1  }
0x7: {  	s4 =	sadd.s32 $0x10A00, s8;
	s5 =	sadd.s32 $0x37C00, s8;
	s12 =	sand.u32 $0x1, s7  }
0x8: {  	s9 =	smul.u32 $0x4F000, s1;
	s7 =	sadd.s32 $0x61600, s8;
	s14 =	sshll.u32 s1, $0x6  }
0x9: {  	s10 =	ssub.s32 $0x2, s12;
	p0 =	seq.s32 s12, $0x1;
	s12 =	smul.u32 $0x2780, s1  }
.Ltmp0:
0xa: {  	_ =	strace $0x8000004D;
	s11 =	sadd.s32 s6, s8;
	(pc) =	sbr.rel .LBB2_1-.Ltmp0, $4  }
0xb: {  	s6 =	sadd.s32 $0x5EE00, s8;
	s13 =	sshrl.u32 s10, $0x1;
	s9 =	sshrl.u32 s9, $0x2  }
0xc: {  	s8 =	sadd.s32 $0x88E00, s8;
	s13 =	ssub.s32 s10, s13;
	s15 =	sadd.s32 s9, s2  }
0xd: {  	s9 =	sor.u32 $0x1C02, s14;
	s10 =	sadd.s32 $0xBA00, s11;
	s11 =	sadd.s32 $0x6A00, s11  }
0xe: {  	s13 =	smax.u32 s13, $0x1;
	s14 =	sshrl.u32 s15, $0x3;
	s15 =	simm.s32 $0x2  }
.LBB2_7:
0xf: {  	s21 =	sshra.s32 s21, $0x2;
	[sflag:s15] =	ssyncadd.s32 $0xFFFFC180  }
0x10: {  	[tilespmem:s18], [sflag:$0x1] =	stream.indirect.gather [hbm4b:s5+s17], $0x80, s21, s17, $0xb8;
	[tilespmem:$0x1CC00] =	vst v63  }
0x11: {  	_ =	swait.ge [sflag:s19], $0x3E80  }
0x12: {  	[sflag:s19] =	ssyncset.done $0x0  }
0x13: {  	s21 =	sadd.s32 $0x2800, s21;
	[sflag:s19] =	ssyncadd.s32 $0xFFFFC180  }
0x14: {  	[spmem:s2] =	stream.indirect.scatter.add.f32 [tilespmem:s18], [sflag:$0x2], $0x80, s21, s17, $0xb8;
	[tilespmem:$0x1CC00] =	vst v63  }
0x15: {  	_ =	swait.ge [sflag:s15], $0x3E80  }
0x16: {  	[sflag:s15] =	ssyncset.done $0x0  }
0x17: {  	s21 =	smov.u32 s8;
	[sflag:s15] =	ssyncadd.s32 $0xFFFFC180  }
.LBB2_8:
0x18: {  	s20 =	sadd.s32 $0x1, s20  }
0x19: {  	p1 =	sne.s32 s20, s13  }
.Ltmp1:
0x1a: {  	s21 =	sadd.s32 s21, s12;
	[bflag:$0x0] =	sbarrier.arrive $0xFFFF;
	(pc) =	sbr.rel @!p1 .LBB2_9-.Ltmp1, $4  }
0x1b: {  	[hbm:s21], [sflag:s9] =	dma.local [spmem:s14], $0x2780  }
0x1c: {  	_ =	swait.ge [sflag:s15], $0x2780  }
0x1d: {  	[sflag:s15] =	ssyncset.done $0x0  }
0x1e: {  	[sflag:s15] =	ssyncadd.s32 $0xFFFFD880  }
.LBB2_1:
0x1f: {  	[spmem:s14], [sflag:s9] =	dma.local [hbm:s6], $0x2780  }
0x20: {  	_ =	swait.ge [sflag:s15], $0x2780  }
0x21: {  	[sflag:s15] =	ssyncset.done $0x0  }
0x22: {  	[sflag:s15] =	ssyncadd.s32 $0xFFFFD880  }
0x23: {  	[tilespmem:s3], [sflag:$0x2] =	stream.linear.gather [hbm4b:s10+s3], $0x2800, $0x38;
	[tilespmem:$0x1CC00] =	vst v63  }
0x24: {  	_ =	swait.ge [sflag:s15], $0x2800  }
0x25: {  	[sflag:s15] =	ssyncset.done $0x0  }
0x26: {  	[sflag:s15] =	ssyncadd.s32 $0xFFFFD800  }
0x27: {  	[tilespmem:s16], [sflag:$0x2] =	stream.linear.gather [hbm4b:s11+s3], $0x2800, $0x38;
	[tilespmem:$0x1CC00] =	vst v63  }
.Ltmp2:
0x28: {  	_ =	swait.ge [sflag:s15], $0x2800;
	(pc) =	sbr.rel @!p0 .LBB2_2-.Ltmp2, $4  }
0x29: {  	[sflag:s15] =	ssyncset.done $0x0  }
0x2a: {  	[sflag:s15] =	ssyncadd.s32 $0xFFFFD800  }
0x2b: {  	[bflag:$0x0] =	sbarrier.arrive $0xFFFF  }
0x2c: {  	s21 =	simm.s32 $0x0  }
0x2d: {  	[tilespmem:s18], [sflag:$0x1] =	stream.indirect.gather [hbm4b:s5+s17], $0x80, s21, s17, $0xb8;
	[tilespmem:$0x1CC00] =	vst v63  }
0x2e: {  	_ =	swait.ge [sflag:s19], $0x3E80  }
0x2f: {  	[sflag:s19] =	ssyncset.done $0x0  }
0x30: {  	s31 =	simm.s32 $0x2800;
	[sflag:s19] =	ssyncadd.s32 $0xFFFFC180  }
0x31: {  	[spmem:s2] =	stream.indirect.scatter.add.f32 [tilespmem:s18], [sflag:$0x2], $0x80, s31, s17, $0xb8;
	[tilespmem:$0x1CC00] =	vst v63  }
0x32: {  	_ =	swait.ge [sflag:s15], $0x3E80  }
0x33: {  	s21 =	simm.s32 $0x200;
	s22 =	simm.s32 $0x400;
	[sflag:s15] =	ssyncset.done $0x0  }
.LBB2_6:
0x34: {  	s23 =	sshra.s32 s21, $0x2  }
0x35: {  	[sflag:s15] =	ssyncadd.s32 $0xFFFFC180;
	s21 =	smov.u32 s22;
	s24 =	sadd.s32 $0x200, s22  }
0x36: {  	[tilespmem:s18], [sflag:$0x1] =	stream.indirect.gather [hbm4b:s5+s17], $0x80, s23, s17, $0xb8;
	[tilespmem:$0x1CC00] =	vst v63  }
0x37: {  	p1 =	sne.s32 s22, $0x9E00;
	_ =	swait.ge [sflag:s19], $0x3E80  }
.Ltmp3:
0x38: {  	[sflag:s19] =	ssyncset.done $0x0;
	(pc) =	sbr.rel @p1 .LBB2_6-.Ltmp3, $4  }
0x39: {  	s22 =	sadd.s32 $0x2800, s23;
	[sflag:s19] =	ssyncadd.s32 $0xFFFFC180  }
0x3a: {  	[spmem:s2] =	stream.indirect.scatter.add.f32 [tilespmem:s18], [sflag:$0x2], $0x80, s22, s17, $0xb8;
	[tilespmem:$0x1CC00] =	vst v63  }
0x3b: {  	_ =	swait.ge [sflag:s15], $0x3E80  }
0x3c: {  	s22 =	smov.u32 s24;
	[sflag:s15] =	ssyncset.done $0x0  }
.Ltmp4:
0x3d: {  	_ = 	snop;
	(pc) =	sbr.rel .LBB2_7-.Ltmp4, $1  }
0x3e: {  	_ =	sdelay $0x3  }
.LBB2_2:
0x3f: {  	[tilespmem:s18], [sflag:$0x1] =	stream.indirect.gather [hbm4b:s4+s17], $0x80, s21, s17, $0xb8;
	[tilespmem:$0x1CC00] =	vst v63  }
0x40: {  	_ =	swait.ge [sflag:s19], $0x3E80  }
0x41: {  	[sflag:s19] =	ssyncset.done $0x0  }
0x42: {  	s31 =	simm.s32 $0x2800;
	[sflag:s19] =	ssyncadd.s32 $0xFFFFC180  }
0x43: {  	[spmem:s2] =	stream.indirect.scatter.add.f32 [tilespmem:s18], [sflag:$0x2], $0x80, s31, s17, $0xb8;
	[tilespmem:$0x1CC00] =	vst v63  }
0x44: {  	_ =	swait.ge [sflag:s15], $0x3E80  }
0x45: {  	s21 =	simm.s32 $0x200;
	s22 =	simm.s32 $0x400;
	[sflag:s15] =	ssyncset.done $0x0  }
.LBB2_3:
0x46: {  	s23 =	sshra.s32 s21, $0x2  }
0x47: {  	[sflag:s15] =	ssyncadd.s32 $0xFFFFC180;
	s21 =	smov.u32 s22;
	s24 =	sadd.s32 $0x200, s22  }
0x48: {  	[tilespmem:s18], [sflag:$0x1] =	stream.indirect.gather [hbm4b:s4+s17], $0x80, s23, s17, $0xb8;
	[tilespmem:$0x1CC00] =	vst v63  }
0x49: {  	p1 =	seq.s32 s22, $0x9E00;
	_ =	swait.ge [sflag:s19], $0x3E80  }
.Ltmp5:
0x4a: {  	[sflag:s19] =	ssyncset.done $0x0;
	(pc) =	sbr.rel @!p1 .LBB2_3-.Ltmp5, $4  }
0x4b: {  	s22 =	sadd.s32 $0x2800, s23;
	[sflag:s19] =	ssyncadd.s32 $0xFFFFC180  }
0x4c: {  	[spmem:s2] =	stream.indirect.scatter.add.f32 [tilespmem:s18], [sflag:$0x2], $0x80, s22, s17, $0xb8;
	[tilespmem:$0x1CC00] =	vst v63  }
0x4d: {  	_ =	swait.ge [sflag:s15], $0x3E80  }
0x4e: {  	s22 =	smov.u32 s24;
	[sflag:s15] =	ssyncset.done $0x0  }
0x4f: {  	s21 =	sshra.s32 s21, $0x2;
	[sflag:s15] =	ssyncadd.s32 $0xFFFFC180  }
0x50: {  	[tilespmem:s18], [sflag:$0x1] =	stream.indirect.gather [hbm4b:s4+s17], $0x80, s21, s17, $0xb8;
	[tilespmem:$0x1CC00] =	vst v63  }
0x51: {  	_ =	swait.ge [sflag:s19], $0x3E80  }
0x52: {  	[sflag:s19] =	ssyncset.done $0x0  }
.Ltmp6:
0x53: {  	s21 =	sadd.s32 $0x2800, s21;
	[sflag:s19] =	ssyncadd.s32 $0xFFFFC180;
	(pc) =	sbr.rel .LBB2_8-.Ltmp6, $4  }
0x54: {  	[spmem:s2] =	stream.indirect.scatter.add.f32 [tilespmem:s18], [sflag:$0x2], $0x80, s21, s17, $0xb8;
	[tilespmem:$0x1CC00] =	vst v63  }
0x55: {  	_ =	swait.ge [sflag:s15], $0x3E80  }
0x56: {  	[sflag:s15] =	ssyncset.done $0x0  }
0x57: {  	s21 =	smov.u32 s7;
	[sflag:s15] =	ssyncadd.s32 $0xFFFFC180  }
.LBB2_9:
0x58: {  	_ =	sfence.sel $0x180000  }
0x59: {  	[bflag:$0x0] =	sbarrier.arrive $0xFFFF  }
0x5a: {  	p0 =	sne.s32 s1, $0x0;
	_ =	strace $0x9000004D  }
0x5b: {  	s0 =	sadd.s32 @!p0 $0x100000, s0;
	[bflag:$0x2] =	sbarrier.arrive $0xFFFF  }
0x5c: {  	[sflag:s0] =	ssyncadd.tile.s32 @!p0 $0x1;
	_ =	shalt  }
.Lfunc_end2:
_tile_overlayer_lowered:
.L_overlay_start_2:
0x5d: {  	(tag) =	ssettag $0x2  }
0x5e: {  	s0 =	rddreg [dreg:$0x0];
	s2 =	stileid.u32  }
0x5f: {  	s1 =	rddreg [dreg:$0x1];
	p0 =	sne.s32 s2, $0x0  }
0x60: {  	s3 =	rddreg [dreg:$0x2];
	[bflag:$0x3] =	sbarrier.arrive $0xFFFF;
	s2 =	simm.s32 @!p0 $0x1C02  }
0x61: {  	[timem:s3], [sflag:s2] =	dma.local @!p0 [hbm:s0], s1  }
0x62: {  	s0 =	simm.s32 @!p0 $0x2  }
0x63: {  	_ =	swait.ge @!p0 [sflag:s0], s1  }
0x64: {  	s1 =	ssub.s32 @!p0 $0x0, s1;
	[sflag:s0] =	ssyncset.done @!p0 $0x0  }
0x65: {  	[sflag:s0] =	ssyncadd.s32 @!p0 s1  }
0x66: {  	[bflag:$0x3] =	sbarrier.arrive $0xFFFF  }
0x67: {  	_ =	shalt  }

</sc_bundles>
